<compile_context>
chip_gen: v7x
topology: tpu7x:2x2x1
jax: 0.10.2.dev20260603
libtpu: 0.0.44.dev20260713+nightly
codegen_flags: <defaults>
</compile_context>

<pallas_src>
import functools

import jax
import jax.numpy as jnp
from jax import lax
from jax.experimental import pallas as pl
from jax.experimental.pallas import tpu as pltpu
from jax.experimental.pallas import tpu_sc as plsc

NQ = 10000
NS = 100000
E = 320000
D = 128
H = 4
DH = D // H
LEN_DIM = 32
CTX_DIM = 32
FC = 64
R_CUTOFF = 10.0

BQ = 128
NQB = (NQ + BQ - 1) // BQ
NQP = NQB * BQ
BE = 2048
GW = 128
E_PAD = 323584
TW = 144
BS = 1000

_dot = functools.partial(
    lax.dot_general,
    precision=lax.Precision.DEFAULT,
    preferred_element_type=jnp.float32,
)

_SIN_C = (0.9999997069582272, -0.16666577198087604, 0.008332557998374063,
          -0.0001981257223755738, 2.704047331301695e-06,
          -2.053408004778425e-08)


def _fast_sin(a):
    m = jnp.round(a * (1.0 / (2.0 * jnp.pi)))
    x = (a - m * 6.28125) - m * 0.0019353071795864769
    x2 = x * x
    p = jnp.float32(_SIN_C[5])
    for k in (4, 3, 2, 1, 0):
        p = p * x2 + jnp.float32(_SIN_C[k])
    return p * x


def _mm(a, b):
    return _dot(a, b, dimension_numbers=(((1,), (0,)), ((), ())))


def _table_body(x_ref, p_ref, wv_ref, o_ref):
    vperm = _mm(x_ref[...], wv_ref[...])
    a = vperm[:, 0:64].astype(jnp.bfloat16)
    b = vperm[:, 64:128].astype(jnp.bfloat16)
    au = lax.bitcast_convert_type(a, jnp.uint16).astype(jnp.uint32)
    bu = lax.bitcast_convert_type(b, jnp.uint16).astype(jnp.uint32)
    packed = au | (bu << 16)
    o_ref[:, 0:64] = lax.bitcast_convert_type(packed, jnp.int32)
    o_ref[:, 64:80] = p_ref[...]
    o_ref[:, 80:128] = jnp.zeros((BS, 48), jnp.int32)


def _build_table(src_x, pos_i32, W_v_perm):
    return pl.pallas_call(
        _table_body,
        grid=(NS // BS,),
        in_specs=[
            pl.BlockSpec((BS, D), lambda i: (i, 0)),
            pl.BlockSpec((BS, 16), lambda i: (i, 0)),
            pl.BlockSpec((D, D), lambda i: (0, 0)),
        ],
        out_specs=pl.BlockSpec((BS, D), lambda i: (i, 0)),
        out_shape=jax.ShapeDtypeStruct((NS, D), jnp.int32),
        compiler_params=pltpu.CompilerParams(
            dimension_semantics=("parallel",)),
    )(src_x, pos_i32, W_v_perm)


def _sc_gather(table, idx):
    idx2 = idx.reshape(1, E_PAD)
    mesh = plsc.VectorSubcoreMesh(
        core_axis_name="core", subcore_axis_name="subcore"
    )

    @functools.partial(
        pl.kernel,
        out_type=jax.ShapeDtypeStruct((E_PAD, D), jnp.int32),
        mesh=mesh,
    )
    def gather_kernel(tbl_hbm, i_hbm, o_hbm):
        def body(i_vmem, o_vmem):
            pltpu.sync_copy(tbl_hbm.at[i_vmem.at[0]], o_vmem)

        pltpu.emit_pipeline(
            body,
            grid=(E_PAD // GW,),
            in_specs=[pl.BlockSpec((1, GW), index_map=lambda i: (0, i))],
            out_specs=[pl.BlockSpec((GW, D), index_map=lambda i: (i, 0))],
            core_axis_name=("core", "subcore"),
            dimension_semantics=(pltpu.PARALLEL,),
        )(i_hbm, o_hbm)

    return gather_kernel(table, idx2)


def _main_body(estart, t_hbm, ed_hbm, qx, qpos, ctx,
               Wq, W1a, W1b, b1, W2, b2, Wm, wa, G, GT, Wout, bout,
               lmask, Slo, Shi, ones16,
               out, tbuf, dbuf, sem_t, sem_d):
    j = pl.program_id(0)
    s0 = (estart[j] // 16) * 16
    n = estart[j + 1] - s0
    qproj = _mm(qx[...], Wq[...])
    ctxw = _mm(ctx[...], W1b[...])
    n_chunks = (n + BE - 1) // BE

    def _copies(c):
        slot = lax.rem(c, 2)
        base = s0 + c * BE
        return (
            pltpu.make_async_copy(
                t_hbm.at[pl.ds(base, BE)], tbuf.at[slot], sem_t.at[slot]),
            pltpu.make_async_copy(
                ed_hbm.at[pl.ds(base, BE)], dbuf.at[slot], sem_d.at[slot]),
        )

    @pl.when(n_chunks > 0)
    def _():
        for cp in _copies(0):
            cp.start()

    def body(c, carry):
        num, den = carry
        slot = lax.rem(c, 2)
        for cp in _copies(c):
            cp.wait()

        @pl.when(c + 1 < n_chunks)
        def _():
            for cp in _copies(c + 1):
                cp.start()

        lid = dbuf[slot] - j * BQ
        onehot = (lid == lax.broadcasted_iota(jnp.int32, (BE, BQ), 1)
                  ).astype(jnp.float32)

        trow = tbuf[slot]
        pk = lax.bitcast_convert_type(trow, jnp.uint32)
        vlo = lax.bitcast_convert_type((pk << 16) & lmask[...],
                                       jnp.float32)
        vhi = lax.bitcast_convert_type(pk & jnp.uint32(0xFFFF0000),
                                       jnp.float32)
        vrow = _mm(vlo, Slo[...]) + _mm(vhi, Shi[...])
        spos = trow[:, 64:80]
        posq = _mm(onehot, qpos[...])
        rel = posq - spos
        rel2 = rel * rel
        r = jnp.sqrt(_mm(rel2, ones16[...])[:, 0:1] + 1e-12)
        karr = (lax.broadcasted_iota(jnp.int32, (BE, LEN_DIM), 1) + 1
                ).astype(jnp.float32)
        bes = _fast_sin(karr * ((jnp.pi / R_CUTOFF) * r)) * (
            jnp.sqrt(2.0 / R_CUTOFF) / (r + 1e-6))

        pre1 = _mm(bes, W1a[...]) + _mm(onehot, ctxw) + b1[...]
        h = pre1 * jax.nn.sigmoid(pre1)
        pre2 = _mm(h, W2[...]) + b2[...]
        w_e = pre2 * jax.nn.sigmoid(pre2)
        gate = _mm(w_e, Wm[...])
        vh = vrow * gate
        qg = _mm(onehot, qproj)
        f = qg + vh
        f = jnp.where(f >= 0.0, f, 0.2 * f)
        lg = _mm(f * wa[...], G[...])
        lg = jnp.clip(lg, -80.0, 80.0)
        ex = jnp.exp(lg)
        exb = _mm(ex, GT[...])
        num = num + _dot(onehot, exb * vh,
                         dimension_numbers=(((0,), (0,)), ((), ())))
        den = den + _dot(onehot, ex,
                         dimension_numbers=(((0,), (0,)), ((), ())))
        return num, den

    num0 = jnp.zeros((BQ, 128), jnp.float32)
    den0 = jnp.zeros((BQ, 8), jnp.float32)
    num, den = lax.fori_loop(0, n_chunks, body, (num0, den0))
    denb = _mm(den, GT[...])
    outh = num / (denb + 1e-9)
    out[...] = _mm(outh, Wout[...]) + bout[...] + qx[...]


def _run_main(estart, t_g, ed_col, qx_p, qpos_p, ctx_p,
              Wq, W1a, W1b, b1, W2, b2, Wm, wa, G, GT, Wout, bout,
              lmask, Slo, Shi, ones16):
    grid_spec = pltpu.PrefetchScalarGridSpec(
        num_scalar_prefetch=1,
        grid=(NQB,),
        in_specs=[
            pl.BlockSpec(memory_space=pl.ANY),
            pl.BlockSpec(memory_space=pl.ANY),
            pl.BlockSpec((BQ, D), lambda j, es: (j, 0)),
            pl.BlockSpec((BQ, 16), lambda j, es: (j, 0)),
            pl.BlockSpec((BQ, CTX_DIM), lambda j, es: (j, 0)),
            pl.BlockSpec((D, D), lambda j, es: (0, 0)),
            pl.BlockSpec((LEN_DIM, FC), lambda j, es: (0, 0)),
            pl.BlockSpec((CTX_DIM, FC), lambda j, es: (0, 0)),
            pl.BlockSpec((1, FC), lambda j, es: (0, 0)),
            pl.BlockSpec((FC, FC), lambda j, es: (0, 0)),
            pl.BlockSpec((1, FC), lambda j, es: (0, 0)),
            pl.BlockSpec((FC, D), lambda j, es: (0, 0)),
            pl.BlockSpec((1, D), lambda j, es: (0, 0)),
            pl.BlockSpec((D, 8), lambda j, es: (0, 0)),
            pl.BlockSpec((8, D), lambda j, es: (0, 0)),
            pl.BlockSpec((D, D), lambda j, es: (0, 0)),
            pl.BlockSpec((1, D), lambda j, es: (0, 0)),
            pl.BlockSpec((1, D), lambda j, es: (0, 0)),
            pl.BlockSpec((D, D), lambda j, es: (0, 0)),
            pl.BlockSpec((D, D), lambda j, es: (0, 0)),
            pl.BlockSpec((16, 8), lambda j, es: (0, 0)),
        ],
        out_specs=pl.BlockSpec((BQ, D), lambda j, es: (j, 0)),
        scratch_shapes=[
            pltpu.VMEM((2, BE, D), jnp.float32),
            pltpu.VMEM((2, BE, 1), jnp.int32),
            pltpu.SemaphoreType.DMA((2,)),
            pltpu.SemaphoreType.DMA((2,)),
        ],
    )
    return pl.pallas_call(
        _main_body,
        grid_spec=grid_spec,
        out_shape=jax.ShapeDtypeStruct((NQP, D), jnp.float32),
        compiler_params=pltpu.CompilerParams(
            dimension_semantics=("parallel",)),
    )(estart, t_g, ed_col, qx_p, qpos_p, ctx_p,
      Wq, W1a, W1b, b1, W2, b2, Wm, wa, G, GT, Wout, bout,
      lmask, Slo, Shi, ones16)


def kernel(query_x, query_pos, src_x, src_pos, context_emb, edge_src,
           edge_dst, W_q, W_v, W_fc1, b_fc1, W_fc2, b_fc2, W_mod, w_alpha,
           W_out, b_out):
    f32 = jnp.float32
    edge_src = edge_src.astype(jnp.int32)
    edge_dst = edge_dst.astype(jnp.int32)

    pos_i32 = lax.bitcast_convert_type(
        jnp.pad(src_pos.astype(f32), ((0, 0), (0, 13))), jnp.int32)
    qpos_p = jnp.pad(query_pos.astype(f32), ((0, NQP - NQ), (0, 13)))
    qx_p = jnp.pad(query_x.astype(f32), ((0, NQP - NQ), (0, 0)))
    ctx_p = jnp.pad(context_emb.astype(f32), ((0, NQP - NQ), (0, 0)))
    es_p = jnp.pad(edge_src, (0, E_PAD - E))
    ed_p = jnp.pad(edge_dst, (0, E_PAD - E), constant_values=NQ)
    ed_col = ed_p.reshape(E_PAD, 1)
    bounds = (jnp.arange(NQB + 1, dtype=jnp.int32) * BQ)
    estart = jnp.searchsorted(edge_dst, bounds, side="left").astype(jnp.int32)

    W1a = W_fc1[:LEN_DIM]
    W1b = W_fc1[LEN_DIM:]
    b1 = b_fc1.reshape(1, FC).astype(f32)
    b2 = b_fc2.reshape(1, FC).astype(f32)
    bout = b_out.reshape(1, D).astype(f32)

    perm = jnp.concatenate([jnp.arange(0, D, 2), jnp.arange(1, D, 2)])
    wa = w_alpha.reshape(1, D).astype(f32)[:, perm]
    G = (lax.broadcasted_iota(jnp.int32, (D, 8), 0) // DH
         == lax.broadcasted_iota(jnp.int32, (D, 8), 1)).astype(f32)[perm]
    GT = G.T
    Wq_p = W_q.astype(f32)[:, perm]
    Wm_p = W_mod.astype(f32)[:, perm]
    Wout_p = W_out.astype(f32)[perm, :]

    table = _build_table(src_x.astype(f32), pos_i32,
                         W_v.astype(f32)[:, perm])
    t_g = _sc_gather(table, es_p)
    lanes = jnp.arange(D)
    lmask = jnp.where(lanes < 64, jnp.uint32(0xFFFFFFFF),
                      jnp.uint32(0)).reshape(1, D)
    Slo = ((lanes[:, None] == lanes[None, :]) & (lanes[:, None] < 64)
           ).astype(f32)
    Shi = (lanes[None, :] == lanes[:, None] + 64).astype(f32)
    ones16 = jnp.ones((16, 8), f32)

    t_gf = lax.bitcast_convert_type(t_g, jnp.float32)
    out_p = _run_main(estart, t_gf, ed_col, qx_p, qpos_p, ctx_p,
                      Wq_p, W1a, W1b, b1, W_fc2.astype(f32), b2,
                      Wm_p, wa, G, GT, Wout_p, bout,
                      lmask, Slo, Shi, ones16)
    return out_p[:NQ]

# --- scband reference (transcript-rebuilt; emitter-appended) ---
"""Pipeline reference for scband-multiscale-tensor-field-37056977830560 (READ-ONLY COPY).

The authoritative reference and input builder live on the scoring server;
editing this copy changes nothing except your own understanding.
"""

import jax, jax.numpy as jnp
import numpy as np

NQ = 10000
NS = 100000
E = 320000
D = 128
H = 4
DH = D // H
LEN_DIM = 32
CTX_DIM = 32
FC = 64
R_CUTOFF = 10.0


def setup_inputs(seed: int = 0) -> dict:
    key = jax.random.key(seed)
    ks = jax.random.split(key, 20)
    inp = {}
    inp["query_x"] = jax.random.normal(ks[0], (NQ, D), dtype=jnp.float32)
    inp["query_pos"] = jax.random.normal(ks[1], (NQ, 3), dtype=jnp.float32)
    inp["src_x"] = jax.random.normal(ks[2], (NS, D), dtype=jnp.float32)
    inp["src_pos"] = jax.random.normal(ks[3], (NS, 3), dtype=jnp.float32)
    inp["context_emb"] = jax.random.normal(ks[4], (NQ, CTX_DIM), dtype=jnp.float32)
    inp["edge_src"] = jax.random.randint(ks[5], (E,), 0, NS)
    inp["edge_dst"] = jnp.sort(jax.random.randint(ks[6], (E,), 0, NQ))
    # learned parameters (EquiformerBlock, simplified to the scalar-irreps path)
    inp["W_q"] = jax.random.normal(ks[7], (D, D), dtype=jnp.float32) / np.sqrt(D)
    inp["W_v"] = jax.random.normal(ks[8], (D, D), dtype=jnp.float32) / np.sqrt(D)
    inp["W_fc1"] = jax.random.normal(ks[9], (LEN_DIM + CTX_DIM, FC), dtype=jnp.float32) / np.sqrt(LEN_DIM + CTX_DIM)
    inp["b_fc1"] = jnp.zeros((FC,), dtype=jnp.float32)
    inp["W_fc2"] = jax.random.normal(ks[10], (FC, FC), dtype=jnp.float32) / np.sqrt(FC)
    inp["b_fc2"] = jnp.zeros((FC,), dtype=jnp.float32)
    inp["W_mod"] = jax.random.normal(ks[11], (FC, D), dtype=jnp.float32) / np.sqrt(FC)
    inp["w_alpha"] = jax.random.normal(ks[12], (H, DH), dtype=jnp.float32) / np.sqrt(DH)
    inp["W_out"] = jax.random.normal(ks[13], (D, D), dtype=jnp.float32) / np.sqrt(D)
    inp["b_out"] = jnp.zeros((D,), dtype=jnp.float32)
    return inp


def reference(query_x, query_pos, src_x, src_pos, context_emb, edge_src, edge_dst,
              W_q, W_v, W_fc1, b_fc1, W_fc2, b_fc2, W_mod, w_alpha, W_out, b_out):
    # --- RadiusBipartite edge featurization (BesselBasisEncoder on edge length) ---
    rel = query_pos[edge_dst] - src_pos[edge_src]            # gather [E,3]
    r = jnp.sqrt(jnp.sum(rel * rel, axis=-1) + 1e-12)        # [E]
    k = jnp.arange(1, LEN_DIM + 1, dtype=jnp.float32)
    bessel = jnp.sqrt(2.0 / R_CUTOFF) * jnp.sin(k[None, :] * jnp.pi * r[:, None] / R_CUTOFF) / (r[:, None] + 1e-6)  # [E,32]
    # --- contexted edge scalars: cat(length_emb, context_emb[edge_dst]) ---
    edge_scalars = jnp.concatenate([bessel, context_emb[edge_dst]], axis=-1)  # [E,64]
    # --- fc_neurons MLP producing per-edge tensor-product weights (use_src_w) ---
    h = jax.nn.silu(edge_scalars @ W_fc1 + b_fc1)
    w_edge = jax.nn.silu(h @ W_fc2 + b_fc2)                  # [E,64]
    gate = w_edge @ W_mod                                    # [E,128]
    # --- messages: project src features, gather along edges, modulate by edge weights ---
    v_all = src_x @ W_v                                      # [NS,128]
    v = v_all[edge_src] * gate                               # gather [E,128]
    vh = v.reshape(-1, H, DH)                                # [E,H,DH]
    # --- mlp attention (Equiformer style) against dst query features ---
    q = query_x @ W_q
    qh = q.reshape(NQ, H, DH)
    f = jax.nn.leaky_relu(qh[edge_dst] + vh, negative_slope=0.2)
    logits = jnp.sum(f * w_alpha[None, :, :], axis=-1)       # [E,H]
    # segment softmax over edges sharing a dst node
    m = jax.lax.stop_gradient(jax.ops.segment_max(logits, edge_dst, num_segments=NQ))
    m = jnp.where(jnp.isfinite(m), m, 0.0)
    ex = jnp.exp(logits - m[edge_dst])
    denom = jax.ops.segment_sum(ex, edge_dst, num_segments=NQ)
    attn = ex / (denom[edge_dst] + 1e-9)                     # [E,H]
    # --- scatter-add aggregation to dst nodes ---
    out_h = jax.ops.segment_sum(vh * attn[:, :, None], edge_dst, num_segments=NQ)  # [NQ,H,DH]
    # --- output projection + skip connection ---
    out = out_h.reshape(NQ, D) @ W_out + b_out + query_x
    return out

if __name__ == "__main__":
    import jax
    _d = setup_inputs()
    print(jax.jit(kernel)(*tuple(_d.values())))

</pallas_src>

<mosaic_0001>
#map = affine_map<(d0, d1) -> (0, 0)>
module attributes {stable_mosaic.version = 14 : i64} {
  func.func @gather_kernel(%arg0: i32, %arg1: i32, %arg2: memref<100000x128xi32, #tpu.memory_space<hbm>>, %arg3: memref<1x323584xi32, #tpu.memory_space<hbm>>, %arg4: memref<323584x128xi32, #tpu.memory_space<hbm>>) attributes {dimension_semantics = [#tpu.dimension_semantics<core_parallel>, #tpu.dimension_semantics<subcore_parallel>], iteration_bounds = array<i64: 2, 16>, scalar_prefetch = 0 : i64, scratch_operands = 0 : i64, tpu.core_type = #tpu.core_type<sc_vector_subcore>, window_params = [{transform_indices = #map}, {transform_indices = #map}, {transform_indices = #map}]} {
    %mul3A = arith.constant 1 : i32
    %mul3A_0 = arith.muli %arg1, %mul3A : i32
    %add3A = arith.constant 0 : i32
    %add3A_1 = arith.addi %add3A, %mul3A_0 : i32
    %mul3A_2 = arith.constant 16 : i32
    %mul3A_3 = arith.muli %arg0, %mul3A_2 : i32
    %add3A_4 = arith.addi %add3A_1, %mul3A_3 : i32
    %mul3A_5 = arith.constant 79 : i32
    %mul3A_6 = arith.muli %add3A_4, %mul3A_5 : i32
    "tpu.region"() ({
      %run_scoped3A = memref.alloca() : memref<2x1x128xi32, #tpu.memory_space<vmem>>
      %run_scoped3A_7 = tpu.sem_alloc : memref<2x!tpu.dma_semaphore, #tpu.memory_space<semaphore_mem>>
      %run_scoped3A_8 = memref.alloca() : memref<2x128x128xi32, #tpu.memory_space<vmem>>
      %run_scoped3A_9 = tpu.sem_alloc : memref<2x!tpu.dma_semaphore, #tpu.memory_space<semaphore_mem>>
      %add3A_10 = arith.constant 0 : i32
      %add3A_11 = arith.addi %add3A_10, %mul3A_6 : i32
      %select_n3A = arith.constant true
      %select_n3A_12 = arith.constant 0 : i32
      %select_n3A_13 = arith.constant -1 : i32
      %select_n3A_14 = arith.select %select_n3A, %select_n3A_13, %select_n3A_12 : i32
      %eq3A = arith.constant -1 : i32
      %eq3A_15 = arith.cmpi eq, %select_n3A_14, %eq3A : i32
      %select_n3A_16 = arith.constant 78 : i32
      %select_n3A_17 = arith.select %eq3A_15, %select_n3A_16, %select_n3A_14 : i32
      %add3A_18 = arith.addi %select_n3A_17, %mul3A_6 : i32
      %select_n3A_19 = arith.constant true
      %select_n3A_20 = arith.constant 0 : i32
      %select_n3A_21 = arith.constant 1 : i32
      %select_n3A_22 = arith.select %select_n3A_19, %select_n3A_21, %select_n3A_20 : i32
      %eq3A_23 = arith.constant 79 : i32
      %eq3A_24 = arith.cmpi eq, %select_n3A_22, %eq3A_23 : i32
      %select_n3A_25 = arith.constant 0 : i32
      %select_n3A_26 = arith.select %eq3A_24, %select_n3A_25, %select_n3A_22 : i32
      %add3A_27 = arith.addi %select_n3A_26, %mul3A_6 : i32
      %add3A_28 = arith.constant 1 : i32
      %add3A_29 = arith.addi %select_n3A_26, %add3A_28 : i32
      %select_n3A_30 = arith.constant true
      %select_n3A_31 = arith.select %select_n3A_30, %add3A_29, %select_n3A_26 : i32
      %eq3A_32 = arith.constant 79 : i32
      %eq3A_33 = arith.cmpi eq, %select_n3A_31, %eq3A_32 : i32
      %select_n3A_34 = arith.constant 0 : i32
      %select_n3A_35 = arith.select %eq3A_33, %select_n3A_34, %select_n3A_31 : i32
      %add3A_36 = arith.addi %select_n3A_35, %mul3A_6 : i32
      "tpu.trace_start"() <{level = 10 : i32, message = "ep_initialize_0"}> : () -> ()
      %rem3A = arith.constant 0 : i32
      %rem3A_37 = arith.constant 2 : i32
      %rem3A_38 = arith.remui %rem3A, %rem3A_37 : i32
      %mul3A_39 = arith.constant 128 : i32
      %mul3A_40 = arith.muli %mul3A_39, %add3A_11 : i32
      %dma_start3A = arith.constant 0 : i32
      %dma_start3A_41 = arith.constant 0 : i32
      %dma_start3A_42 = tpu.memref_slice %run_scoped3A[%rem3A_38, %dma_start3A, %dma_start3A_41] : memref<2x1x128xi32, #tpu.memory_space<vmem>> -> memref<1x1x128xi32, #tpu.memory_space<vmem>>
      %dma_start3A_43 = tpu.memref_squeeze %dma_start3A_42 : memref<1x1x128xi32, #tpu.memory_space<vmem>> -> memref<1x128xi32, #tpu.memory_space<vmem>>
      %dma_start3A_44 = arith.constant 0 : i32
      %dma_start3A_45 = tpu.memref_slice %arg3[%dma_start3A_44, %mul3A_40] : memref<1x323584xi32, #tpu.memory_space<hbm>> -> memref<1x128xi32, #tpu.memory_space<hbm>>
      %dma_start3A_46 = tpu.memref_slice %run_scoped3A_7[%rem3A_38] : memref<2x!tpu.dma_semaphore, #tpu.memory_space<semaphore_mem>> -> memref<1x!tpu.dma_semaphore, #tpu.memory_space<semaphore_mem>>
      %dma_start3A_47 = tpu.memref_squeeze %dma_start3A_46 : memref<1x!tpu.dma_semaphore, #tpu.memory_space<semaphore_mem>> -> memref<!tpu.dma_semaphore, #tpu.memory_space<semaphore_mem>>
      %dma_start3A_48 = arith.constant 0 : i32
      %dma_start3A_49 = arith.constant 0 : i32
      %dma_start3A_50 = tpu.memref_slice %run_scoped3A[%rem3A_38, %dma_start3A_48, %dma_start3A_49] : memref<2x1x128xi32, #tpu.memory_space<vmem>> -> memref<1x1x128xi32, #tpu.memory_space<vmem>>
      %dma_start3A_51 = tpu.memref_squeeze %dma_start3A_50 : memref<1x1x128xi32, #tpu.memory_space<vmem>> -> memref<1x128xi32, #tpu.memory_space<vmem>>
      %dma_start3A_52 = arith.constant 0 : i32
      %dma_start3A_53 = tpu.memref_slice %arg3[%dma_start3A_52, %mul3A_40] : memref<1x323584xi32, #tpu.memory_space<hbm>> -> memref<1x128xi32, #tpu.memory_space<hbm>>
      tpu.enqueue_dma source(%dma_start3A_53 : memref<1x128xi32, #tpu.memory_space<hbm>>) target(%dma_start3A_51 : memref<1x128xi32, #tpu.memory_space<vmem>>) target_semaphore(%dma_start3A_47 : memref<!tpu.dma_semaphore, #tpu.memory_space<semaphore_mem>>)
      %add3A_54 = arith.constant 0 : i32
      %add3A_55 = arith.constant 1 : i32
      %add3A_56 = arith.addi %add3A_54, %add3A_55 : i32
      %select_n3A_57 = arith.constant true
      %select_n3A_58 = arith.constant 0 : i32
      %select_n3A_59 = arith.select %select_n3A_57, %add3A_56, %select_n3A_58 : i32
      "tpu.trace_stop"() : () -> ()
      %scan3A = arith.constant 0 : i32
      %scan3A_60 = arith.constant 0 : i32
      %scan3A_61 = arith.constant 0 : i32
      %scan3A_62 = arith.constant 0 : i32
      %scan3A_63 = arith.constant 0 : i32
      %scan3A_64 = arith.constant 79 : i32
      %scan3A_65 = arith.addi %scan3A_63, %scan3A_64 : i32
      %scan3A_66 = arith.constant 1 : i32
      %scan3A_67:5 = scf.for %scan3A_121 = %scan3A_63 to %scan3A_65 step %scan3A_66 iter_args(%scan3A_122 = %select_n3A_59, %scan3A_123 = %scan3A, %scan3A_124 = %scan3A_60, %scan3A_125 = %scan3A_61, %scan3A_126 = %scan3A_62) -> (i32, i32, i32, i32, i32)  : i32 {
        %eq3A_127 = arith.constant 0 : i32
        %eq3A_128 = arith.cmpi eq, %scan3A_121, %eq3A_127 : i32
        %eq3A_129 = arith.constant 78 : i32
        %eq3A_130 = arith.cmpi eq, %scan3A_121, %eq3A_129 : i32
        %add3A_131 = arith.addi %scan3A_126, %mul3A_6 : i32
        %sub3A_132 = arith.constant 1 : i32
        %sub3A_133 = arith.subi %scan3A_126, %sub3A_132 : i32
        %select_n3A_134 = arith.constant true
        %select_n3A_135 = arith.select %select_n3A_134, %sub3A_133, %scan3A_126 : i32
        %eq3A_136 = arith.constant -1 : i32
        %eq3A_137 = arith.cmpi eq, %select_n3A_135, %eq3A_136 : i32
        %select_n3A_138 = arith.constant 78 : i32
        %select_n3A_139 = arith.select %eq3A_137, %select_n3A_138, %select_n3A_135 : i32
        %add3A_140 = arith.addi %select_n3A_139, %mul3A_6 : i32
        %add3A_141 = arith.constant 1 : i32
        %add3A_142 = arith.addi %scan3A_126, %add3A_141 : i32
        %select_n3A_143 = arith.constant true
        %select_n3A_144 = arith.select %select_n3A_143, %add3A_142, %scan3A_126 : i32
        %eq3A_145 = arith.constant 79 : i32
        %eq3A_146 = arith.cmpi eq, %select_n3A_144, %eq3A_145 : i32
        %select_n3A_147 = arith.constant 0 : i32
        %select_n3A_148 = arith.select %eq3A_146, %select_n3A_147, %select_n3A_144 : i32
        %add3A_149 = arith.addi %select_n3A_148, %mul3A_6 : i32
        %add3A_150 = arith.constant 1 : i32
        %add3A_151 = arith.addi %select_n3A_148, %add3A_150 : i32
        %select_n3A_152 = arith.constant true
        %select_n3A_153 = arith.select %select_n3A_152, %add3A_151, %select_n3A_148 : i32
        %eq3A_154 = arith.constant 79 : i32
        %eq3A_155 = arith.cmpi eq, %select_n3A_153, %eq3A_154 : i32
        %select_n3A_156 = arith.constant 0 : i32
        %select_n3A_157 = arith.select %eq3A_155, %select_n3A_156, %select_n3A_153 : i32
        %add3A_158 = arith.addi %select_n3A_157, %mul3A_6 : i32
        %ne3A = arith.cmpi ne, %add3A_131, %add3A_149 : i32
        %or3A = arith.constant false
        %or3A_159 = arith.ori %or3A, %ne3A : i1
        %ge3A = arith.constant 78 : i32
        %ge3A_160 = arith.cmpi sge, %scan3A_121, %ge3A : i32
        %not3A = arith.constant true
        %not3A_161 = arith.xori %ge3A_160, %not3A : i1
        %and3A = arith.andi %or3A_159, %not3A_161 : i1
        %convert_element_type3A = arith.extui %and3A : i1 to i32
        %cond3A = arith.constant 0 : i32
        %cond3A_162 = arith.cmpi ne, %convert_element_type3A, %cond3A : i32
        scf.if %cond3A_162 {
          "tpu.trace_start"() <{level = 10 : i32, message = "ep_copy_in"}> : () -> ()
          %rem3A_264 = arith.constant 2 : i32
          %rem3A_265 = arith.remui %scan3A_122, %rem3A_264 : i32
          %mul3A_266 = arith.constant 128 : i32
          %mul3A_267 = arith.muli %mul3A_266, %add3A_149 : i32
          %dma_start3A_268 = arith.constant 0 : i32
          %dma_start3A_269 = arith.constant 0 : i32
          %dma_start3A_270 = tpu.memref_slice %run_scoped3A[%rem3A_265, %dma_start3A_268, %dma_start3A_269] : memref<2x1x128xi32, #tpu.memory_space<vmem>> -> memref<1x1x128xi32, #tpu.memory_space<vmem>>
          %dma_start3A_271 = tpu.memref_squeeze %dma_start3A_270 : memref<1x1x128xi32, #tpu.memory_space<vmem>> -> memref<1x128xi32, #tpu.memory_space<vmem>>
          %dma_start3A_272 = arith.constant 0 : i32
          %dma_start3A_273 = tpu.memref_slice %arg3[%dma_start3A_272, %mul3A_267] : memref<1x323584xi32, #tpu.memory_space<hbm>> -> memref<1x128xi32, #tpu.memory_space<hbm>>
          %dma_start3A_274 = tpu.memref_slice %run_scoped3A_7[%rem3A_265] : memref<2x!tpu.dma_semaphore, #tpu.memory_space<semaphore_mem>> -> memref<1x!tpu.dma_semaphore, #tpu.memory_space<semaphore_mem>>
          %dma_start3A_275 = tpu.memref_squeeze %dma_start3A_274 : memref<1x!tpu.dma_semaphore, #tpu.memory_space<semaphore_mem>> -> memref<!tpu.dma_semaphore, #tpu.memory_space<semaphore_mem>>
          %dma_start3A_276 = arith.constant 0 : i32
          %dma_start3A_277 = arith.constant 0 : i32
          %dma_start3A_278 = tpu.memref_slice %run_scoped3A[%rem3A_265, %dma_start3A_276, %dma_start3A_277] : memref<2x1x128xi32, #tpu.memory_space<vmem>> -> memref<1x1x128xi32, #tpu.memory_space<vmem>>
          %dma_start3A_279 = tpu.memref_squeeze %dma_start3A_278 : memref<1x1x128xi32, #tpu.memory_space<vmem>> -> memref<1x128xi32, #tpu.memory_space<vmem>>
          %dma_start3A_280 = arith.constant 0 : i32
          %dma_start3A_281 = tpu.memref_slice %arg3[%dma_start3A_280, %mul3A_267] : memref<1x323584xi32, #tpu.memory_space<hbm>> -> memref<1x128xi32, #tpu.memory_space<hbm>>
          tpu.enqueue_dma source(%dma_start3A_281 : memref<1x128xi32, #tpu.memory_space<hbm>>) target(%dma_start3A_279 : memref<1x128xi32, #tpu.memory_space<vmem>>) target_semaphore(%dma_start3A_275 : memref<!tpu.dma_semaphore, #tpu.memory_space<semaphore_mem>>)
          "tpu.trace_stop"() : () -> ()
        } else {
        }
        %and3A_163 = arith.constant true
        %and3A_164 = arith.andi %and3A, %and3A_163 : i1
        %add3A_165 = arith.constant 1 : i32
        %add3A_166 = arith.addi %scan3A_122, %add3A_165 : i32
        %select_n3A_167 = arith.select %and3A_164, %add3A_166, %scan3A_122 : i32
        %ne3A_168 = arith.cmpi ne, %add3A_131, %add3A_149 : i32
        %or3A_169 = arith.constant false
        %or3A_170 = arith.ori %or3A_169, %ne3A_168 : i1
        %or3A_171 = arith.constant false
        %or3A_172 = arith.ori %or3A_170, %or3A_171 : i1
        %ge3A_173 = arith.constant 78 : i32
        %ge3A_174 = arith.cmpi sge, %scan3A_121, %ge3A_173 : i32
        %not3A_175 = arith.constant true
        %not3A_176 = arith.xori %ge3A_174, %not3A_175 : i1
        %and3A_177 = arith.andi %or3A_172, %not3A_176 : i1
        %ne3A_178 = arith.cmpi ne, %add3A_131, %add3A_140 : i32
        %or3A_179 = arith.constant false
        %or3A_180 = arith.ori %or3A_179, %ne3A_178 : i1
        %or3A_181 = arith.ori %or3A_180, %eq3A_128 : i1
        %convert_element_type3A_182 = arith.extui %or3A_181 : i1 to i32
        %cond3A_183 = arith.constant 0 : i32
        %cond3A_184 = arith.cmpi ne, %convert_element_type3A_182, %cond3A_183 : i32
        scf.if %cond3A_184 {
          "tpu.trace_start"() <{level = 10 : i32, message = "ep_wait_in"}> : () -> ()
          %mul3A_264 = arith.constant 128 : i32
          %mul3A_265 = arith.muli %mul3A_264, %add3A_131 : i32
          %rem3A_266 = arith.constant 2 : i32
          %rem3A_267 = arith.remui %scan3A_123, %rem3A_266 : i32
          %dma_wait3A_268 = arith.constant 0 : i32
          %dma_wait3A_269 = arith.constant 0 : i32
          %dma_wait3A_270 = tpu.memref_slice %run_scoped3A[%rem3A_267, %dma_wait3A_268, %dma_wait3A_269] : memref<2x1x128xi32, #tpu.memory_space<vmem>> -> memref<1x1x128xi32, #tpu.memory_space<vmem>>
          %dma_wait3A_271 = tpu.memref_squeeze %dma_wait3A_270 : memref<1x1x128xi32, #tpu.memory_space<vmem>> -> memref<1x128xi32, #tpu.memory_space<vmem>>
          %dma_wait3A_272 = arith.constant 0 : i32
          %dma_wait3A_273 = tpu.memref_slice %arg3[%dma_wait3A_272, %mul3A_265] : memref<1x323584xi32, #tpu.memory_space<hbm>> -> memref<1x128xi32, #tpu.memory_space<hbm>>
          %dma_wait3A_274 = tpu.memref_slice %run_scoped3A_7[%rem3A_267] : memref<2x!tpu.dma_semaphore, #tpu.memory_space<semaphore_mem>> -> memref<1x!tpu.dma_semaphore, #tpu.memory_space<semaphore_mem>>
          %dma_wait3A_275 = tpu.memref_squeeze %dma_wait3A_274 : memref<1x!tpu.dma_semaphore, #tpu.memory_space<semaphore_mem>> -> memref<!tpu.dma_semaphore, #tpu.memory_space<semaphore_mem>>
          %dma_wait3A_276 = arith.constant 0 : i32
          %dma_wait3A_277 = arith.constant 0 : i32
          %dma_wait3A_278 = tpu.memref_slice %run_scoped3A[%rem3A_267, %dma_wait3A_276, %dma_wait3A_277] : memref<2x1x128xi32, #tpu.memory_space<vmem>> -> memref<1x1x128xi32, #tpu.memory_space<vmem>>
          %dma_wait3A_279 = tpu.memref_squeeze %dma_wait3A_278 : memref<1x1x128xi32, #tpu.memory_space<vmem>> -> memref<1x128xi32, #tpu.memory_space<vmem>>
          %dma_wait3A_280 = arith.constant 0 : i32
          %dma_wait3A_281 = tpu.memref_slice %arg3[%dma_wait3A_280, %mul3A_265] : memref<1x323584xi32, #tpu.memory_space<hbm>> -> memref<1x128xi32, #tpu.memory_space<hbm>>
          tpu.wait_dma2 semaphore(%dma_wait3A_275 : memref<!tpu.dma_semaphore, #tpu.memory_space<semaphore_mem>>) src(%dma_wait3A_281 : memref<1x128xi32, #tpu.memory_space<hbm>>) dst(%dma_wait3A_279 : memref<1x128xi32, #tpu.memory_space<vmem>>)
          "tpu.trace_stop"() : () -> ()
        } else {
        }
        %ne3A_185 = arith.cmpi ne, %add3A_131, %add3A_140 : i32
        %or3A_186 = arith.constant false
        %or3A_187 = arith.ori %or3A_186, %ne3A_185 : i1
        %or3A_188 = arith.constant false
        %or3A_189 = arith.ori %or3A_187, %or3A_188 : i1
        %or3A_190 = arith.ori %or3A_189, %eq3A_128 : i1
        %convert_element_type3A_191 = arith.extui %or3A_190 : i1 to i32
        %cond3A_192 = arith.constant 0 : i32
        %cond3A_193 = arith.cmpi ne, %convert_element_type3A_191, %cond3A_192 : i32
        scf.if %cond3A_193 {
        } else {
        }
        %rem3A_194 = arith.constant 2 : i32
        %rem3A_195 = arith.remui %scan3A_123, %rem3A_194 : i32
        %rem3A_196 = arith.constant 2 : i32
        %rem3A_197 = arith.remui %scan3A_124, %rem3A_196 : i32
        %run_scoped3A_198 = arith.constant 0 : i32
        "tpu.trace_start"() <{level = 10 : i32, message = "ep_run_kernel"}> : () -> ()
        "tpu.region"() ({
          %run_scoped3A_264 = tpu.sem_alloc : memref<!tpu.dma_semaphore, #tpu.memory_space<semaphore_mem>>
          %dma_start3A_265 = arith.constant 0 : i32
          %dma_start3A_266 = arith.constant 0 : i32
          %dma_start3A_267 = tpu.memref_slice %run_scoped3A_8[%rem3A_197, %dma_start3A_265, %dma_start3A_266] : memref<2x128x128xi32, #tpu.memory_space<vmem>> -> memref<1x128x128xi32, #tpu.memory_space<vmem>>
          %dma_start3A_268 = tpu.memref_squeeze %dma_start3A_267 : memref<1x128x128xi32, #tpu.memory_space<vmem>> -> memref<128x128xi32, #tpu.memory_space<vmem>>
          %dma_start3A_269 = arith.constant 0 : i32
          %dma_start3A_270 = arith.constant 0 : i32
          %dma_start3A_271 = tpu.memref_slice %run_scoped3A[%rem3A_195, %dma_start3A_269, %dma_start3A_270] : memref<2x1x128xi32, #tpu.memory_space<vmem>> -> memref<1x1x128xi32, #tpu.memory_space<vmem>>
          %dma_start3A_272 = tpu.memref_squeeze %dma_start3A_271 : memref<1x1x128xi32, #tpu.memory_space<vmem>> -> memref<1x128xi32, #tpu.memory_space<vmem>>
          %dma_start3A_273 = arith.constant 0 : i32
          %dma_start3A_274 = tpu.memref_slice %dma_start3A_272[%run_scoped3A_198, %dma_start3A_273] : memref<1x128xi32, #tpu.memory_space<vmem>> -> memref<1x128xi32, #tpu.memory_space<vmem>>
          %dma_start3A_275 = tpu.memref_squeeze %dma_start3A_274 : memref<1x128xi32, #tpu.memory_space<vmem>> -> memref<128xi32, #tpu.memory_space<vmem>>
          %dma_start3A_276 = arith.constant 0 : i32
          %dma_start3A_277 = arith.constant 0 : i32
          %dma_start3A_278 = tpu.memref_slice %arg2[%dma_start3A_276, %dma_start3A_277] : memref<100000x128xi32, #tpu.memory_space<hbm>> -> memref<100000x128xi32, #tpu.memory_space<hbm>>
          tpu.enqueue_indirect_dma source(%dma_start3A_278 : memref<100000x128xi32, #tpu.memory_space<hbm>>) target(%dma_start3A_268 : memref<128x128xi32, #tpu.memory_space<vmem>>) offsets(%dma_start3A_275 : memref<128xi32, #tpu.memory_space<vmem>>) semaphore(%run_scoped3A_264 : memref<!tpu.dma_semaphore, #tpu.memory_space<semaphore_mem>>)
          %dma_wait3A_279 = arith.constant 0 : i32
          %dma_wait3A_280 = arith.constant 0 : i32
          %dma_wait3A_281 = tpu.memref_slice %run_scoped3A_8[%rem3A_197, %dma_wait3A_279, %dma_wait3A_280] : memref<2x128x128xi32, #tpu.memory_space<vmem>> -> memref<1x128x128xi32, #tpu.memory_space<vmem>>
          %dma_wait3A_282 = tpu.memref_squeeze %dma_wait3A_281 : memref<1x128x128xi32, #tpu.memory_space<vmem>> -> memref<128x128xi32, #tpu.memory_space<vmem>>
          %dma_wait3A_283 = arith.constant 0 : i32
          %dma_wait3A_284 = arith.constant 0 : i32
          %dma_wait3A_285 = tpu.memref_slice %run_scoped3A[%rem3A_195, %dma_wait3A_283, %dma_wait3A_284] : memref<2x1x128xi32, #tpu.memory_space<vmem>> -> memref<1x1x128xi32, #tpu.memory_space<vmem>>
          %dma_wait3A_286 = tpu.memref_squeeze %dma_wait3A_285 : memref<1x1x128xi32, #tpu.memory_space<vmem>> -> memref<1x128xi32, #tpu.memory_space<vmem>>
          %dma_wait3A_287 = arith.constant 0 : i32
          %dma_wait3A_288 = tpu.memref_slice %dma_wait3A_286[%run_scoped3A_198, %dma_wait3A_287] : memref<1x128xi32, #tpu.memory_space<vmem>> -> memref<1x128xi32, #tpu.memory_space<vmem>>
          %dma_wait3A_289 = tpu.memref_squeeze %dma_wait3A_288 : memref<1x128xi32, #tpu.memory_space<vmem>> -> memref<128xi32, #tpu.memory_space<vmem>>
          %dma_wait3A_290 = arith.constant 0 : i32
          %dma_wait3A_291 = arith.constant 0 : i32
          %dma_wait3A_292 = tpu.memref_slice %arg2[%dma_wait3A_290, %dma_wait3A_291] : memref<100000x128xi32, #tpu.memory_space<hbm>> -> memref<100000x128xi32, #tpu.memory_space<hbm>>
          tpu.wait_indirect_dma semaphore(%run_scoped3A_264 : memref<!tpu.dma_semaphore, #tpu.memory_space<semaphore_mem>>) src(%dma_wait3A_292 : memref<100000x128xi32, #tpu.memory_space<hbm>>) dst(%dma_wait3A_282 : memref<128x128xi32, #tpu.memory_space<vmem>>)
          tpu.yield
        }) : () -> ()
        "tpu.trace_stop"() : () -> ()
        %ne3A_199 = arith.cmpi ne, %add3A_131, %add3A_149 : i32
        %or3A_200 = arith.constant false
        %or3A_201 = arith.ori %or3A_200, %ne3A_199 : i1
        %or3A_202 = arith.ori %or3A_201, %eq3A_130 : i1
        %convert_element_type3A_203 = arith.extui %or3A_202 : i1 to i32
        %cond3A_204 = arith.constant 0 : i32
        %cond3A_205 = arith.cmpi ne, %convert_element_type3A_203, %cond3A_204 : i32
        scf.if %cond3A_205 {
        } else {
        }
        %and3A_206 = arith.constant false
        %and3A_207 = arith.andi %or3A_202, %and3A_206 : i1
        %ne3A_208 = arith.cmpi ne, %add3A_131, %add3A_149 : i32
        %or3A_209 = arith.constant false
        %or3A_210 = arith.ori %or3A_209, %ne3A_208 : i1
        %or3A_211 = arith.constant false
        %or3A_212 = arith.ori %or3A_210, %or3A_211 : i1
        %or3A_213 = arith.ori %or3A_212, %eq3A_130 : i1
        %convert_element_type3A_214 = arith.extui %or3A_213 : i1 to i32
        %cond3A_215 = arith.constant 0 : i32
        %cond3A_216 = arith.cmpi ne, %convert_element_type3A_214, %cond3A_215 : i32
        scf.if %cond3A_216 {
          "tpu.trace_start"() <{level = 10 : i32, message = "ep_copy_out"}> : () -> ()
          %rem3A_264 = arith.constant 2 : i32
          %rem3A_265 = arith.remui %scan3A_124, %rem3A_264 : i32
          %mul3A_266 = arith.constant 128 : i32
          %mul3A_267 = arith.muli %mul3A_266, %add3A_131 : i32
          %dma_start3A_268 = arith.constant 0 : i32
          %dma_start3A_269 = arith.constant 0 : i32
          %dma_start3A_270 = tpu.memref_slice %run_scoped3A_8[%rem3A_265, %dma_start3A_268, %dma_start3A_269] : memref<2x128x128xi32, #tpu.memory_space<vmem>> -> memref<1x128x128xi32, #tpu.memory_space<vmem>>
          %dma_start3A_271 = tpu.memref_squeeze %dma_start3A_270 : memref<1x128x128xi32, #tpu.memory_space<vmem>> -> memref<128x128xi32, #tpu.memory_space<vmem>>
          %dma_start3A_272 = arith.constant 0 : i32
          %dma_start3A_273 = tpu.memref_slice %arg4[%mul3A_267, %dma_start3A_272] : memref<323584x128xi32, #tpu.memory_space<hbm>> -> memref<128x128xi32, #tpu.memory_space<hbm>>
          %dma_start3A_274 = tpu.memref_slice %run_scoped3A_9[%rem3A_265] : memref<2x!tpu.dma_semaphore, #tpu.memory_space<semaphore_mem>> -> memref<1x!tpu.dma_semaphore, #tpu.memory_space<semaphore_mem>>
          %dma_start3A_275 = tpu.memref_squeeze %dma_start3A_274 : memref<1x!tpu.dma_semaphore, #tpu.memory_space<semaphore_mem>> -> memref<!tpu.dma_semaphore, #tpu.memory_space<semaphore_mem>>
          %dma_start3A_276 = arith.constant 0 : i32
          %dma_start3A_277 = tpu.memref_slice %arg4[%mul3A_267, %dma_start3A_276] : memref<323584x128xi32, #tpu.memory_space<hbm>> -> memref<128x128xi32, #tpu.memory_space<hbm>>
          %dma_start3A_278 = arith.constant 0 : i32
          %dma_start3A_279 = arith.constant 0 : i32
          %dma_start3A_280 = tpu.memref_slice %run_scoped3A_8[%rem3A_265, %dma_start3A_278, %dma_start3A_279] : memref<2x128x128xi32, #tpu.memory_space<vmem>> -> memref<1x128x128xi32, #tpu.memory_space<vmem>>
          %dma_start3A_281 = tpu.memref_squeeze %dma_start3A_280 : memref<1x128x128xi32, #tpu.memory_space<vmem>> -> memref<128x128xi32, #tpu.memory_space<vmem>>
          tpu.enqueue_dma source(%dma_start3A_281 : memref<128x128xi32, #tpu.memory_space<vmem>>) target(%dma_start3A_277 : memref<128x128xi32, #tpu.memory_space<hbm>>) target_semaphore(%dma_start3A_275 : memref<!tpu.dma_semaphore, #tpu.memory_space<semaphore_mem>>)
          "tpu.trace_stop"() : () -> ()
        } else {
        }
        %and3A_217 = arith.constant true
        %and3A_218 = arith.andi %or3A_213, %and3A_217 : i1
        %add3A_219 = arith.constant 1 : i32
        %add3A_220 = arith.addi %scan3A_124, %add3A_219 : i32
        %select_n3A_221 = arith.select %and3A_218, %add3A_220, %scan3A_124 : i32
        %ne3A_222 = arith.cmpi ne, %add3A_131, %add3A_140 : i32
        %or3A_223 = arith.constant false
        %or3A_224 = arith.ori %or3A_223, %ne3A_222 : i1
        %not3A_225 = arith.constant true
        %not3A_226 = arith.xori %eq3A_128, %not3A_225 : i1
        %and3A_227 = arith.andi %or3A_224, %not3A_226 : i1
        %convert_element_type3A_228 = arith.extui %and3A_227 : i1 to i32
        %cond3A_229 = arith.constant 0 : i32
        %cond3A_230 = arith.cmpi ne, %convert_element_type3A_228, %cond3A_229 : i32
        scf.if %cond3A_230 {
        } else {
        }
        %and3A_231 = arith.constant false
        %and3A_232 = arith.andi %and3A_227, %and3A_231 : i1
        %ne3A_233 = arith.cmpi ne, %add3A_131, %add3A_140 : i32
        %or3A_234 = arith.constant false
        %or3A_235 = arith.ori %or3A_234, %ne3A_233 : i1
        %or3A_236 = arith.constant false
        %or3A_237 = arith.ori %or3A_235, %or3A_236 : i1
        %not3A_238 = arith.constant true
        %not3A_239 = arith.xori %eq3A_128, %not3A_238 : i1
        %and3A_240 = arith.andi %or3A_237, %not3A_239 : i1
        %convert_element_type3A_241 = arith.extui %and3A_240 : i1 to i32
        %cond3A_242 = arith.constant 0 : i32
        %cond3A_243 = arith.cmpi ne, %convert_element_type3A_241, %cond3A_242 : i32
        scf.if %cond3A_243 {
          "tpu.trace_start"() <{level = 10 : i32, message = "ep_wait_out"}> : () -> ()
          %rem3A_264 = arith.constant 2 : i32
          %rem3A_265 = arith.remui %scan3A_125, %rem3A_264 : i32
          %mul3A_266 = arith.constant 128 : i32
          %mul3A_267 = arith.muli %mul3A_266, %add3A_140 : i32
          %dma_wait3A_268 = arith.constant 0 : i32
          %dma_wait3A_269 = arith.constant 0 : i32
          %dma_wait3A_270 = tpu.memref_slice %run_scoped3A_8[%rem3A_265, %dma_wait3A_268, %dma_wait3A_269] : memref<2x128x128xi32, #tpu.memory_space<vmem>> -> memref<1x128x128xi32, #tpu.memory_space<vmem>>
          %dma_wait3A_271 = tpu.memref_squeeze %dma_wait3A_270 : memref<1x128x128xi32, #tpu.memory_space<vmem>> -> memref<128x128xi32, #tpu.memory_space<vmem>>
          %dma_wait3A_272 = arith.constant 0 : i32
          %dma_wait3A_273 = tpu.memref_slice %arg4[%mul3A_267, %dma_wait3A_272] : memref<323584x128xi32, #tpu.memory_space<hbm>> -> memref<128x128xi32, #tpu.memory_space<hbm>>
          %dma_wait3A_274 = tpu.memref_slice %run_scoped3A_9[%rem3A_265] : memref<2x!tpu.dma_semaphore, #tpu.memory_space<semaphore_mem>> -> memref<1x!tpu.dma_semaphore, #tpu.memory_space<semaphore_mem>>
          %dma_wait3A_275 = tpu.memref_squeeze %dma_wait3A_274 : memref<1x!tpu.dma_semaphore, #tpu.memory_space<semaphore_mem>> -> memref<!tpu.dma_semaphore, #tpu.memory_space<semaphore_mem>>
          %dma_wait3A_276 = arith.constant 0 : i32
          %dma_wait3A_277 = tpu.memref_slice %arg4[%mul3A_267, %dma_wait3A_276] : memref<323584x128xi32, #tpu.memory_space<hbm>> -> memref<128x128xi32, #tpu.memory_space<hbm>>
          %dma_wait3A_278 = arith.constant 0 : i32
          %dma_wait3A_279 = arith.constant 0 : i32
          %dma_wait3A_280 = tpu.memref_slice %run_scoped3A_8[%rem3A_265, %dma_wait3A_278, %dma_wait3A_279] : memref<2x128x128xi32, #tpu.memory_space<vmem>> -> memref<1x128x128xi32, #tpu.memory_space<vmem>>
          %dma_wait3A_281 = tpu.memref_squeeze %dma_wait3A_280 : memref<1x128x128xi32, #tpu.memory_space<vmem>> -> memref<128x128xi32, #tpu.memory_space<vmem>>
          tpu.wait_dma2 semaphore(%dma_wait3A_275 : memref<!tpu.dma_semaphore, #tpu.memory_space<semaphore_mem>>) src(%dma_wait3A_281 : memref<128x128xi32, #tpu.memory_space<vmem>>) dst(%dma_wait3A_277 : memref<128x128xi32, #tpu.memory_space<hbm>>)
          "tpu.trace_stop"() : () -> ()
        } else {
        }
        %and3A_244 = arith.constant true
        %and3A_245 = arith.andi %and3A_240, %and3A_244 : i1
        %add3A_246 = arith.constant 1 : i32
        %add3A_247 = arith.addi %scan3A_125, %add3A_246 : i32
        %select_n3A_248 = arith.select %and3A_245, %add3A_247, %scan3A_125 : i32
        %ne3A_249 = arith.cmpi ne, %add3A_131, %add3A_149 : i32
        %or3A_250 = arith.constant false
        %or3A_251 = arith.ori %or3A_250, %ne3A_249 : i1
        %or3A_252 = arith.ori %or3A_251, %eq3A_130 : i1
        %add3A_253 = arith.constant 1 : i32
        %add3A_254 = arith.addi %scan3A_123, %add3A_253 : i32
        %select_n3A_255 = arith.select %or3A_252, %add3A_254, %scan3A_123 : i32
        %add3A_256 = arith.constant 1 : i32
        %add3A_257 = arith.addi %scan3A_126, %add3A_256 : i32
        %select_n3A_258 = arith.constant true
        %select_n3A_259 = arith.select %select_n3A_258, %add3A_257, %scan3A_126 : i32
        %eq3A_260 = arith.constant 79 : i32
        %eq3A_261 = arith.cmpi eq, %select_n3A_259, %eq3A_260 : i32
        %select_n3A_262 = arith.constant 0 : i32
        %select_n3A_263 = arith.select %eq3A_261, %select_n3A_262, %select_n3A_259 : i32
        scf.yield %select_n3A_167, %select_n3A_255, %select_n3A_221, %select_n3A_248, %select_n3A_263 : i32, i32, i32, i32, i32
      }
      %scan3A_68 = arith.constant 79 : i32
      %sub3A = arith.constant 1 : i32
      %sub3A_69 = arith.subi %scan3A_67#4, %sub3A : i32
      %select_n3A_70 = arith.constant true
      %select_n3A_71 = arith.select %select_n3A_70, %sub3A_69, %scan3A_67#4 : i32
      %eq3A_72 = arith.constant -1 : i32
      %eq3A_73 = arith.cmpi eq, %select_n3A_71, %eq3A_72 : i32
      %select_n3A_74 = arith.constant 78 : i32
      %select_n3A_75 = arith.select %eq3A_73, %select_n3A_74, %select_n3A_71 : i32
      %add3A_76 = arith.addi %select_n3A_75, %mul3A_6 : i32
      %sub3A_77 = arith.constant 1 : i32
      %sub3A_78 = arith.subi %select_n3A_75, %sub3A_77 : i32
      %select_n3A_79 = arith.constant true
      %select_n3A_80 = arith.select %select_n3A_79, %sub3A_78, %select_n3A_75 : i32
      %eq3A_81 = arith.constant -1 : i32
      %eq3A_82 = arith.cmpi eq, %select_n3A_80, %eq3A_81 : i32
      %select_n3A_83 = arith.constant 78 : i32
      %select_n3A_84 = arith.select %eq3A_82, %select_n3A_83, %select_n3A_80 : i32
      %add3A_85 = arith.addi %select_n3A_84, %mul3A_6 : i32
      %add3A_86 = arith.constant 1 : i32
      %add3A_87 = arith.addi %select_n3A_75, %add3A_86 : i32
      %select_n3A_88 = arith.constant true
      %select_n3A_89 = arith.select %select_n3A_88, %add3A_87, %select_n3A_75 : i32
      %eq3A_90 = arith.constant 79 : i32
      %eq3A_91 = arith.cmpi eq, %select_n3A_89, %eq3A_90 : i32
      %select_n3A_92 = arith.constant 0 : i32
      %select_n3A_93 = arith.select %eq3A_91, %select_n3A_92, %select_n3A_89 : i32
      %add3A_94 = arith.addi %select_n3A_93, %mul3A_6 : i32
      %add3A_95 = arith.constant 1 : i32
      %add3A_96 = arith.addi %select_n3A_93, %add3A_95 : i32
      %select_n3A_97 = arith.constant true
      %select_n3A_98 = arith.select %select_n3A_97, %add3A_96, %select_n3A_93 : i32
      %eq3A_99 = arith.constant 79 : i32
      %eq3A_100 = arith.cmpi eq, %select_n3A_98, %eq3A_99 : i32
      %select_n3A_101 = arith.constant 0 : i32
      %select_n3A_102 = arith.select %eq3A_100, %select_n3A_101, %select_n3A_98 : i32
      %add3A_103 = arith.addi %select_n3A_102, %mul3A_6 : i32
      "tpu.trace_start"() <{level = 10 : i32, message = "ep_finalize"}> : () -> ()
      %rem3A_104 = arith.constant 2 : i32
      %rem3A_105 = arith.remui %scan3A_67#3, %rem3A_104 : i32
      %mul3A_106 = arith.constant 128 : i32
      %mul3A_107 = arith.muli %mul3A_106, %add3A_76 : i32
      %dma_wait3A = arith.constant 0 : i32
      %dma_wait3A_108 = arith.constant 0 : i32
      %dma_wait3A_109 = tpu.memref_slice %run_scoped3A_8[%rem3A_105, %dma_wait3A, %dma_wait3A_108] : memref<2x128x128xi32, #tpu.memory_space<vmem>> -> memref<1x128x128xi32, #tpu.memory_space<vmem>>
      %dma_wait3A_110 = tpu.memref_squeeze %dma_wait3A_109 : memref<1x128x128xi32, #tpu.memory_space<vmem>> -> memref<128x128xi32, #tpu.memory_space<vmem>>
      %dma_wait3A_111 = arith.constant 0 : i32
      %dma_wait3A_112 = tpu.memref_slice %arg4[%mul3A_107, %dma_wait3A_111] : memref<323584x128xi32, #tpu.memory_space<hbm>> -> memref<128x128xi32, #tpu.memory_space<hbm>>
      %dma_wait3A_113 = tpu.memref_slice %run_scoped3A_9[%rem3A_105] : memref<2x!tpu.dma_semaphore, #tpu.memory_space<semaphore_mem>> -> memref<1x!tpu.dma_semaphore, #tpu.memory_space<semaphore_mem>>
      %dma_wait3A_114 = tpu.memref_squeeze %dma_wait3A_113 : memref<1x!tpu.dma_semaphore, #tpu.memory_space<semaphore_mem>> -> memref<!tpu.dma_semaphore, #tpu.memory_space<semaphore_mem>>
      %dma_wait3A_115 = arith.constant 0 : i32
      %dma_wait3A_116 = tpu.memref_slice %arg4[%mul3A_107, %dma_wait3A_115] : memref<323584x128xi32, #tpu.memory_space<hbm>> -> memref<128x128xi32, #tpu.memory_space<hbm>>
      %dma_wait3A_117 = arith.constant 0 : i32
      %dma_wait3A_118 = arith.constant 0 : i32
      %dma_wait3A_119 = tpu.memref_slice %run_scoped3A_8[%rem3A_105, %dma_wait3A_117, %dma_wait3A_118] : memref<2x128x128xi32, #tpu.memory_space<vmem>> -> memref<1x128x128xi32, #tpu.memory_space<vmem>>
      %dma_wait3A_120 = tpu.memref_squeeze %dma_wait3A_119 : memref<1x128x128xi32, #tpu.memory_space<vmem>> -> memref<128x128xi32, #tpu.memory_space<vmem>>
      tpu.wait_dma2 semaphore(%dma_wait3A_114 : memref<!tpu.dma_semaphore, #tpu.memory_space<semaphore_mem>>) src(%dma_wait3A_120 : memref<128x128xi32, #tpu.memory_space<vmem>>) dst(%dma_wait3A_116 : memref<128x128xi32, #tpu.memory_space<hbm>>)
      "tpu.trace_stop"() : () -> ()
      tpu.yield
    }) : () -> ()
    return
  }
}

module attributes {stable_mosaic.version = 14 : i64} {
  func.func @_table_body(%arg0: i32, %arg1: memref<1000x128xf32, #tpu.memory_space<vmem>>, %arg2: memref<1000x16xi32, #tpu.memory_space<vmem>>, %arg3: memref<128x128xf32, #tpu.memory_space<vmem>>, %arg4: memref<1000x128xi32, #tpu.memory_space<vmem>>) attributes {dimension_semantics = [#tpu.dimension_semantics<parallel>], iteration_bounds = array<i64: 100>, scalar_prefetch = 0 : i64, scratch_operands = 0 : i64, tpu.core_type = #tpu.core_type<tc>, window_params = [{transform_indices = @transform_0, window_bounds = array<i64: 1000, 128>}, {transform_indices = @transform_1, window_bounds = array<i64: 1000, 16>}, {pipeline_mode = #tpu.pipeline_mode<synchronous>, transform_indices = @transform_2, window_bounds = array<i64: 128, 128>}, {transform_indices = @transform_3, window_bounds = array<i64: 1000, 128>}]} {
    %get3A = arith.constant 0 : index
    %get3A_0 = arith.constant 0 : index
    %get3A_1 = vector.load %arg1[%get3A, %get3A_0] : memref<1000x128xf32, #tpu.memory_space<vmem>>, vector<1000x128xf32>
    %get3A_2 = arith.constant 0 : index
    %get3A_3 = arith.constant 0 : index
    %get3A_4 = vector.load %arg3[%get3A_2, %get3A_3] : memref<128x128xf32, #tpu.memory_space<vmem>>, vector<128x128xf32>
    %dot_general3A = arith.constant dense<0.000000e+00> : vector<1000x128xf32>
    %dot_general3A_5 = tpu.matmul %get3A_1, %get3A_4, %dot_general3A {dimension_numbers = #tpu.dot_dimension_numbers<[1], [0], [0], [1], [0, 0, 1, 1], [], []>, transpose_lhs_hint = false} : vector<1000x128xf32>, vector<128x128xf32>, vector<1000x128xf32> -> vector<1000x128xf32>
    %slice3A = vector.extract_strided_slice %dot_general3A_5 {offsets = [0, 0], sizes = [1000, 64], strides = [1, 1]} : vector<1000x128xf32> to vector<1000x64xf32>
    %convert_element_type3A = arith.truncf %slice3A : vector<1000x64xf32> to vector<1000x64xbf16>
    %slice3A_6 = vector.extract_strided_slice %dot_general3A_5 {offsets = [0, 64], sizes = [1000, 64], strides = [1, 1]} : vector<1000x128xf32> to vector<1000x64xf32>
    %convert_element_type3A_7 = arith.truncf %slice3A_6 : vector<1000x64xf32> to vector<1000x64xbf16>
    %bitcast_convert_type3A = tpu.bitcast %convert_element_type3A : vector<1000x64xbf16> -> vector<1000x64xi16>
    %convert_element_type3A_8 = arith.extui %bitcast_convert_type3A : vector<1000x64xi16> to vector<1000x64xi32>
    %bitcast_convert_type3A_9 = tpu.bitcast %convert_element_type3A_7 : vector<1000x64xbf16> -> vector<1000x64xi16>
    %convert_element_type3A_10 = arith.extui %bitcast_convert_type3A_9 : vector<1000x64xi16> to vector<1000x64xi32>
    %shift_left3A = arith.constant 16 : i32
    %shift_left3A_11 = vector.broadcast %shift_left3A : i32 to vector<1000x64xi32>
    %shift_left3A_12 = arith.shli %convert_element_type3A_10, %shift_left3A_11 : vector<1000x64xi32>
    %or3A = arith.ori %convert_element_type3A_8, %shift_left3A_12 : vector<1000x64xi32>
    %bitcast_convert_type3A_13 = tpu.bitcast %or3A : vector<1000x64xi32> -> vector<1000x64xi32>
    %swap3A = arith.constant 0 : index
    %swap3A_14 = arith.constant 0 : index
    %swap3A_15 = vector.load %arg4[%swap3A, %swap3A_14] : memref<1000x128xi32, #tpu.memory_space<vmem>>, vector<1000x64xi32>
    tpu.vector_store %arg4[%swap3A, %swap3A_14], %bitcast_convert_type3A_13 {strides = array<i32>} : memref<1000x128xi32, #tpu.memory_space<vmem>>, vector<1000x64xi32>,
    %get3A_16 = arith.constant 0 : index
    %get3A_17 = arith.constant 0 : index
    %get3A_18 = vector.load %arg2[%get3A_16, %get3A_17] : memref<1000x16xi32, #tpu.memory_space<vmem>>, vector<1000x16xi32>
    %swap3A_19 = arith.constant 0 : index
    %swap3A_20 = arith.constant 64 : index
    %swap3A_21 = vector.load %arg4[%swap3A_19, %swap3A_20] : memref<1000x128xi32, #tpu.memory_space<vmem>>, vector<1000x16xi32>
    tpu.vector_store %arg4[%swap3A_19, %swap3A_20], %get3A_18 {strides = array<i32>} : memref<1000x128xi32, #tpu.memory_space<vmem>>, vector<1000x16xi32>,
    %broadcast_in_dim3A = arith.constant 0 : i32
    %broadcast_in_dim3A_22 = vector.broadcast %broadcast_in_dim3A : i32 to vector<1000x48xi32>
    %swap3A_23 = arith.constant 0 : index
    %swap3A_24 = arith.constant 80 : index
    %swap3A_25 = vector.load %arg4[%swap3A_23, %swap3A_24] : memref<1000x128xi32, #tpu.memory_space<vmem>>, vector<1000x48xi32>
    tpu.vector_store %arg4[%swap3A_23, %swap3A_24], %broadcast_in_dim3A_22 {strides = array<i32>} : memref<1000x128xi32, #tpu.memory_space<vmem>>, vector<1000x48xi32>,
    return
  }
  func.func @transform_0(%arg0: i32) -> (i32, i32) {
    %c0_i32 = arith.constant 0 : i32
    %c0_i32_0 = arith.constant 0 : i32
    return %arg0, %c0_i32 : i32, i32
  }
  func.func @transform_1(%arg0: i32) -> (i32, i32) {
    %c0_i32 = arith.constant 0 : i32
    %c0_i32_0 = arith.constant 0 : i32
    return %arg0, %c0_i32 : i32, i32
  }
  func.func @transform_2(%arg0: i32) -> (i32, i32) {
    %c0_i32 = arith.constant 0 : i32
    %c0_i32_0 = arith.constant 0 : i32
    %c0_i32_1 = arith.constant 0 : i32
    return %c0_i32, %c0_i32_0 : i32, i32
  }
  func.func @transform_3(%arg0: i32) -> (i32, i32) {
    %c0_i32 = arith.constant 0 : i32
    %c0_i32_0 = arith.constant 0 : i32
    return %arg0, %c0_i32 : i32, i32
  }
}

module attributes {stable_mosaic.version = 14 : i64} {
  func.func @_main_body(%arg0: i32, %arg1: memref<80xi32, #tpu.memory_space<smem>>, %arg2: memref<323584x128xf32, #tpu.memory_space<any>>, %arg3: memref<323584x1xi32, #tpu.memory_space<any>>, %arg4: memref<128x128xf32, #tpu.memory_space<vmem>>, %arg5: memref<128x16xf32, #tpu.memory_space<vmem>>, %arg6: memref<128x32xf32, #tpu.memory_space<vmem>>, %arg7: memref<128x128xf32, #tpu.memory_space<vmem>>, %arg8: memref<32x64xf32, #tpu.memory_space<vmem>>, %arg9: memref<32x64xf32, #tpu.memory_space<vmem>>, %arg10: memref<1x64xf32, #tpu.memory_space<vmem>>, %arg11: memref<64x64xf32, #tpu.memory_space<vmem>>, %arg12: memref<1x64xf32, #tpu.memory_space<vmem>>, %arg13: memref<64x128xf32, #tpu.memory_space<vmem>>, %arg14: memref<1x128xf32, #tpu.memory_space<vmem>>, %arg15: memref<128x8xf32, #tpu.memory_space<vmem>>, %arg16: memref<8x128xf32, #tpu.memory_space<vmem>>, %arg17: memref<128x128xf32, #tpu.memory_space<vmem>>, %arg18: memref<1x128xf32, #tpu.memory_space<vmem>>, %arg19: memref<1x128xi32, #tpu.memory_space<vmem>>, %arg20: memref<128x128xf32, #tpu.memory_space<vmem>>, %arg21: memref<128x128xf32, #tpu.memory_space<vmem>>, %arg22: memref<16x8xf32, #tpu.memory_space<vmem>>, %arg23: memref<128x128xf32, #tpu.memory_space<vmem>>, %arg24: memref<2x2048x128xf32, #tpu.memory_space<vmem>>, %arg25: memref<2x2048x1xi32, #tpu.memory_space<vmem>>, %arg26: memref<2x!tpu.dma_semaphore, #tpu.memory_space<semaphore_mem>>, %arg27: memref<2x!tpu.dma_semaphore, #tpu.memory_space<semaphore_mem>>) attributes {dimension_semantics = [#tpu.dimension_semantics<parallel>], iteration_bounds = array<i64: 79>, scalar_prefetch = 1 : i64, scratch_operands = 4 : i64, tpu.core_type = #tpu.core_type<tc>, window_params = [{}, {}, {transform_indices = @transform_2, window_bounds = array<i64: 128, 128>}, {transform_indices = @transform_3, window_bounds = array<i64: 128, 16>}, {transform_indices = @transform_4, window_bounds = array<i64: 128, 32>}, {pipeline_mode = #tpu.pipeline_mode<synchronous>, transform_indices = @transform_5, window_bounds = array<i64: 128, 128>}, {pipeline_mode = #tpu.pipeline_mode<synchronous>, transform_indices = @transform_6, window_bounds = array<i64: 32, 64>}, {pipeline_mode = #tpu.pipeline_mode<synchronous>, transform_indices = @transform_7, window_bounds = array<i64: 32, 64>}, {pipeline_mode = #tpu.pipeline_mode<synchronous>, transform_indices = @transform_8, window_bounds = array<i64: 1, 64>}, {pipeline_mode = #tpu.pipeline_mode<synchronous>, transform_indices = @transform_9, window_bounds = array<i64: 64, 64>}, {pipeline_mode = #tpu.pipeline_mode<synchronous>, transform_indices = @transform_10, window_bounds = array<i64: 1, 64>}, {pipeline_mode = #tpu.pipeline_mode<synchronous>, transform_indices = @transform_11, window_bounds = array<i64: 64, 128>}, {pipeline_mode = #tpu.pipeline_mode<synchronous>, transform_indices = @transform_12, window_bounds = array<i64: 1, 128>}, {pipeline_mode = #tpu.pipeline_mode<synchronous>, transform_indices = @transform_13, window_bounds = array<i64: 128, 8>}, {pipeline_mode = #tpu.pipeline_mode<synchronous>, transform_indices = @transform_14, window_bounds = array<i64: 8, 128>}, {pipeline_mode = #tpu.pipeline_mode<synchronous>, transform_indices = @transform_15, window_bounds = array<i64: 128, 128>}, {pipeline_mode = #tpu.pipeline_mode<synchronous>, transform_indices = @transform_16, window_bounds = array<i64: 1, 128>}, {pipeline_mode = #tpu.pipeline_mode<synchronous>, transform_indices = @transform_17, window_bounds = array<i64: 1, 128>}, {pipeline_mode = #tpu.pipeline_mode<synchronous>, transform_indices = @transform_18, window_bounds = array<i64: 128, 128>}, {pipeline_mode = #tpu.pipeline_mode<synchronous>, transform_indices = @transform_19, window_bounds = array<i64: 128, 128>}, {pipeline_mode = #tpu.pipeline_mode<synchronous>, transform_indices = @transform_20, window_bounds = array<i64: 16, 8>}, {transform_indices = @transform_21, window_bounds = array<i64: 128, 128>}]} {
    %get3A = arith.index_cast %arg0 : i32 to index
    %get3A_0 = memref.load %arg1[%get3A] : memref<80xi32, #tpu.memory_space<smem>>
    %jit3A = arith.constant 16 : i32
    %div3A = arith.divsi %get3A_0, %jit3A : i32
    %sign3A = arith.constant 0 : i32
    %sign3A_1 = arith.cmpi sgt, %get3A_0, %sign3A : i32
    %sign3A_2 = arith.extui %sign3A_1 : i1 to i32
    %sign3A_3 = arith.constant 0 : i32
    %sign3A_4 = arith.cmpi slt, %get3A_0, %sign3A_3 : i32
    %sign3A_5 = arith.extui %sign3A_4 : i1 to i32
    %sign3A_6 = arith.subi %sign3A_2, %sign3A_5 : i32
    %sign3A_7 = arith.constant 0 : i32
    %sign3A_8 = arith.cmpi sgt, %jit3A, %sign3A_7 : i32
    %sign3A_9 = arith.extui %sign3A_8 : i1 to i32
    %sign3A_10 = arith.constant 0 : i32
    %sign3A_11 = arith.cmpi slt, %jit3A, %sign3A_10 : i32
    %sign3A_12 = arith.extui %sign3A_11 : i1 to i32
    %sign3A_13 = arith.subi %sign3A_9, %sign3A_12 : i32
    %ne3A = arith.cmpi ne, %sign3A_6, %sign3A_13 : i32
    %rem3A = arith.remsi %get3A_0, %jit3A : i32
    %ne3A_14 = arith.constant 0 : i32
    %ne3A_15 = arith.cmpi ne, %rem3A, %ne3A_14 : i32
    %and3A = arith.andi %ne3A, %ne3A_15 : i1
    %sub3A = arith.constant 1 : i32
    %sub3A_16 = arith.subi %div3A, %sub3A : i32
    %select_n3A = arith.select %and3A, %sub3A_16, %div3A : i32
    %mul3A = arith.constant 16 : i32
    %mul3A_17 = arith.muli %select_n3A, %mul3A : i32
    %add3A = arith.constant 1 : i32
    %add3A_18 = arith.addi %arg0, %add3A : i32
    %get3A_19 = arith.index_cast %add3A_18 : i32 to index
    %get3A_20 = memref.load %arg1[%get3A_19] : memref<80xi32, #tpu.memory_space<smem>>
    %sub3A_21 = arith.subi %get3A_20, %mul3A_17 : i32
    %get3A_22 = arith.constant 0 : index
    %get3A_23 = arith.constant 0 : index
    %get3A_24 = vector.load %arg4[%get3A_22, %get3A_23] : memref<128x128xf32, #tpu.memory_space<vmem>>, vector<128x128xf32>
    %get3A_25 = arith.constant 0 : index
    %get3A_26 = arith.constant 0 : index
    %get3A_27 = vector.load %arg7[%get3A_25, %get3A_26] : memref<128x128xf32, #tpu.memory_space<vmem>>, vector<128x128xf32>
    %dot_general3A = arith.constant dense<0.000000e+00> : vector<128x128xf32>
    %dot_general3A_28 = tpu.matmul %get3A_24, %get3A_27, %dot_general3A {dimension_numbers = #tpu.dot_dimension_numbers<[1], [0], [0], [1], [0, 0, 1, 1], [], []>, transpose_lhs_hint = false} : vector<128x128xf32>, vector<128x128xf32>, vector<128x128xf32> -> vector<128x128xf32>
    %get3A_29 = arith.constant 0 : index
    %get3A_30 = arith.constant 0 : index
    %get3A_31 = vector.load %arg6[%get3A_29, %get3A_30] : memref<128x32xf32, #tpu.memory_space<vmem>>, vector<128x32xf32>
    %get3A_32 = arith.constant 0 : index
    %get3A_33 = arith.constant 0 : index
    %get3A_34 = vector.load %arg9[%get3A_32, %get3A_33] : memref<32x64xf32, #tpu.memory_space<vmem>>, vector<32x64xf32>
    %dot_general3A_35 = arith.constant dense<0.000000e+00> : vector<128x64xf32>
    %dot_general3A_36 = tpu.matmul %get3A_31, %get3A_34, %dot_general3A_35 {dimension_numbers = #tpu.dot_dimension_numbers<[1], [0], [0], [1], [0, 0, 1, 1], [], []>, transpose_lhs_hint = false} : vector<128x32xf32>, vector<32x64xf32>, vector<128x64xf32> -> vector<128x64xf32>
    %add3A_37 = arith.constant 2048 : i32
    %add3A_38 = arith.addi %sub3A_21, %add3A_37 : i32
    %sub3A_39 = arith.constant 1 : i32
    %sub3A_40 = arith.subi %add3A_38, %sub3A_39 : i32
    %jit3A_41 = arith.constant 2048 : i32
    %div3A_42 = arith.divsi %sub3A_40, %jit3A_41 : i32
    %sign3A_43 = arith.constant 0 : i32
    %sign3A_44 = arith.cmpi sgt, %sub3A_40, %sign3A_43 : i32
    %sign3A_45 = arith.extui %sign3A_44 : i1 to i32
    %sign3A_46 = arith.constant 0 : i32
    %sign3A_47 = arith.cmpi slt, %sub3A_40, %sign3A_46 : i32
    %sign3A_48 = arith.extui %sign3A_47 : i1 to i32
    %sign3A_49 = arith.subi %sign3A_45, %sign3A_48 : i32
    %sign3A_50 = arith.constant 0 : i32
    %sign3A_51 = arith.cmpi sgt, %jit3A_41, %sign3A_50 : i32
    %sign3A_52 = arith.extui %sign3A_51 : i1 to i32
    %sign3A_53 = arith.constant 0 : i32
    %sign3A_54 = arith.cmpi slt, %jit3A_41, %sign3A_53 : i32
    %sign3A_55 = arith.extui %sign3A_54 : i1 to i32
    %sign3A_56 = arith.subi %sign3A_52, %sign3A_55 : i32
    %ne3A_57 = arith.cmpi ne, %sign3A_49, %sign3A_56 : i32
    %rem3A_58 = arith.remsi %sub3A_40, %jit3A_41 : i32
    %ne3A_59 = arith.constant 0 : i32
    %ne3A_60 = arith.cmpi ne, %rem3A_58, %ne3A_59 : i32
    %and3A_61 = arith.andi %ne3A_57, %ne3A_60 : i1
    %sub3A_62 = arith.constant 1 : i32
    %sub3A_63 = arith.subi %div3A_42, %sub3A_62 : i32
    %select_n3A_64 = arith.select %and3A_61, %sub3A_63, %div3A_42 : i32
    %gt3A = arith.constant 0 : i32
    %gt3A_65 = arith.cmpi sgt, %select_n3A_64, %gt3A : i32
    %convert_element_type3A = arith.extui %gt3A_65 : i1 to i32
    %cond3A = arith.constant 0 : i32
    %cond3A_66 = arith.cmpi ne, %convert_element_type3A, %cond3A : i32
    scf.if %cond3A_66 {
      %rem3A_105 = arith.constant 0 : i32
      %rem3A_106 = arith.constant 2 : i32
      %rem3A_107 = arith.remsi %rem3A_105, %rem3A_106 : i32
      %add3A_108 = arith.constant 0 : i32
      %add3A_109 = arith.addi %mul3A_17, %add3A_108 : i32
      %dma_start3A = tpu.memref_slice %arg26[%rem3A_107] : memref<2x!tpu.dma_semaphore, #tpu.memory_space<semaphore_mem>> -> memref<1x!tpu.dma_semaphore, #tpu.memory_space<semaphore_mem>>
      %dma_start3A_110 = tpu.memref_squeeze %dma_start3A : memref<1x!tpu.dma_semaphore, #tpu.memory_space<semaphore_mem>> -> memref<!tpu.dma_semaphore, #tpu.memory_space<semaphore_mem>>
      %dma_start3A_111 = arith.constant 0 : i32
      %dma_start3A_112 = arith.constant 0 : i32
      %dma_start3A_113 = tpu.memref_slice %arg24[%rem3A_107, %dma_start3A_111, %dma_start3A_112] : memref<2x2048x128xf32, #tpu.memory_space<vmem>> -> memref<1x2048x128xf32, #tpu.memory_space<vmem>>
      %dma_start3A_114 = tpu.memref_squeeze %dma_start3A_113 : memref<1x2048x128xf32, #tpu.memory_space<vmem>> -> memref<2048x128xf32, #tpu.memory_space<vmem>>
      %dma_start3A_115 = arith.constant 0 : i32
      %dma_start3A_116 = tpu.memref_slice %arg2[%add3A_109, %dma_start3A_115] : memref<323584x128xf32, #tpu.memory_space<any>> -> memref<2048x128xf32, #tpu.memory_space<any>>
      tpu.enqueue_dma source(%dma_start3A_116 : memref<2048x128xf32, #tpu.memory_space<any>>) target(%dma_start3A_114 : memref<2048x128xf32, #tpu.memory_space<vmem>>) target_semaphore(%dma_start3A_110 : memref<!tpu.dma_semaphore, #tpu.memory_space<semaphore_mem>>)
      %dma_start3A_117 = tpu.memref_slice %arg27[%rem3A_107] : memref<2x!tpu.dma_semaphore, #tpu.memory_space<semaphore_mem>> -> memref<1x!tpu.dma_semaphore, #tpu.memory_space<semaphore_mem>>
      %dma_start3A_118 = tpu.memref_squeeze %dma_start3A_117 : memref<1x!tpu.dma_semaphore, #tpu.memory_space<semaphore_mem>> -> memref<!tpu.dma_semaphore, #tpu.memory_space<semaphore_mem>>
      %dma_start3A_119 = arith.constant 0 : i32
      %dma_start3A_120 = arith.constant 0 : i32
      %dma_start3A_121 = tpu.memref_slice %arg25[%rem3A_107, %dma_start3A_119, %dma_start3A_120] : memref<2x2048x1xi32, #tpu.memory_space<vmem>> -> memref<1x2048x1xi32, #tpu.memory_space<vmem>>
      %dma_start3A_122 = tpu.memref_squeeze %dma_start3A_121 : memref<1x2048x1xi32, #tpu.memory_space<vmem>> -> memref<2048x1xi32, #tpu.memory_space<vmem>>
      %dma_start3A_123 = arith.constant 0 : i32
      %dma_start3A_124 = tpu.memref_slice %arg3[%add3A_109, %dma_start3A_123] : memref<323584x1xi32, #tpu.memory_space<any>> -> memref<2048x1xi32, #tpu.memory_space<any>>
      tpu.enqueue_dma source(%dma_start3A_124 : memref<2048x1xi32, #tpu.memory_space<any>>) target(%dma_start3A_122 : memref<2048x1xi32, #tpu.memory_space<vmem>>) target_semaphore(%dma_start3A_118 : memref<!tpu.dma_semaphore, #tpu.memory_space<semaphore_mem>>)
    } else {
    }
    %broadcast_in_dim3A = arith.constant 0.000000e+00 : f32
    %broadcast_in_dim3A_67 = vector.broadcast %broadcast_in_dim3A : f32 to vector<128x128xf32>
    %broadcast_in_dim3A_68 = arith.constant 0.000000e+00 : f32
    %broadcast_in_dim3A_69 = vector.broadcast %broadcast_in_dim3A_68 : f32 to vector<128x8xf32>
    %while3A = arith.constant 0 : i32
    %while3A_70 = arith.subi %select_n3A_64, %while3A : i32
    %while3A_71 = arith.addi %while3A, %while3A_70 : i32
    %while3A_72 = arith.constant 1 : i32
    %while3A_73 = arith.divsi %while3A_70, %while3A_72 : i32
    %while3A_74 = arith.muli %while3A_73, %while3A_72 : i32
    %while3A_75 = arith.addi %while3A, %while3A_74 : i32
    %while3A_76 = arith.constant 1 : i32
    %while3A_77:2 = scf.for %while3A_105 = %while3A to %while3A_75 step %while3A_76 iter_args(%while3A_106 = %broadcast_in_dim3A_67, %while3A_107 = %broadcast_in_dim3A_69) -> (vector<128x128xf32>, vector<128x8xf32>)  : i32 {
      %rem3A_108 = arith.constant 2 : i32
      %rem3A_109 = arith.remsi %while3A_105, %rem3A_108 : i32
      %rem3A_110 = arith.constant 2 : i32
      %rem3A_111 = arith.remsi %while3A_105, %rem3A_110 : i32
      %mul3A_112 = arith.constant 2048 : i32
      %mul3A_113 = arith.muli %while3A_105, %mul3A_112 : i32
      %add3A_114 = arith.addi %mul3A_17, %mul3A_113 : i32
      %dma_wait3A = tpu.memref_slice %arg26[%rem3A_111] : memref<2x!tpu.dma_semaphore, #tpu.memory_space<semaphore_mem>> -> memref<1x!tpu.dma_semaphore, #tpu.memory_space<semaphore_mem>>
      %dma_wait3A_115 = tpu.memref_squeeze %dma_wait3A : memref<1x!tpu.dma_semaphore, #tpu.memory_space<semaphore_mem>> -> memref<!tpu.dma_semaphore, #tpu.memory_space<semaphore_mem>>
      %dma_wait3A_116 = arith.constant 0 : i32
      %dma_wait3A_117 = arith.constant 0 : i32
      %dma_wait3A_118 = tpu.memref_slice %arg24[%rem3A_111, %dma_wait3A_116, %dma_wait3A_117] : memref<2x2048x128xf32, #tpu.memory_space<vmem>> -> memref<1x2048x128xf32, #tpu.memory_space<vmem>>
      %dma_wait3A_119 = tpu.memref_squeeze %dma_wait3A_118 : memref<1x2048x128xf32, #tpu.memory_space<vmem>> -> memref<2048x128xf32, #tpu.memory_space<vmem>>
      %dma_wait3A_120 = arith.constant 0 : i32
      %dma_wait3A_121 = tpu.memref_slice %arg2[%add3A_114, %dma_wait3A_120] : memref<323584x128xf32, #tpu.memory_space<any>> -> memref<2048x128xf32, #tpu.memory_space<any>>
      tpu.wait_dma2 semaphore(%dma_wait3A_115 : memref<!tpu.dma_semaphore, #tpu.memory_space<semaphore_mem>>) src(%dma_wait3A_121 : memref<2048x128xf32, #tpu.memory_space<any>>) dst(%dma_wait3A_119 : memref<2048x128xf32, #tpu.memory_space<vmem>>)
      %dma_wait3A_122 = tpu.memref_slice %arg27[%rem3A_111] : memref<2x!tpu.dma_semaphore, #tpu.memory_space<semaphore_mem>> -> memref<1x!tpu.dma_semaphore, #tpu.memory_space<semaphore_mem>>
      %dma_wait3A_123 = tpu.memref_squeeze %dma_wait3A_122 : memref<1x!tpu.dma_semaphore, #tpu.memory_space<semaphore_mem>> -> memref<!tpu.dma_semaphore, #tpu.memory_space<semaphore_mem>>
      %dma_wait3A_124 = arith.constant 0 : i32
      %dma_wait3A_125 = arith.constant 0 : i32
      %dma_wait3A_126 = tpu.memref_slice %arg25[%rem3A_111, %dma_wait3A_124, %dma_wait3A_125] : memref<2x2048x1xi32, #tpu.memory_space<vmem>> -> memref<1x2048x1xi32, #tpu.memory_space<vmem>>
      %dma_wait3A_127 = tpu.memref_squeeze %dma_wait3A_126 : memref<1x2048x1xi32, #tpu.memory_space<vmem>> -> memref<2048x1xi32, #tpu.memory_space<vmem>>
      %dma_wait3A_128 = arith.constant 0 : i32
      %dma_wait3A_129 = tpu.memref_slice %arg3[%add3A_114, %dma_wait3A_128] : memref<323584x1xi32, #tpu.memory_space<any>> -> memref<2048x1xi32, #tpu.memory_space<any>>
      tpu.wait_dma2 semaphore(%dma_wait3A_123 : memref<!tpu.dma_semaphore, #tpu.memory_space<semaphore_mem>>) src(%dma_wait3A_129 : memref<2048x1xi32, #tpu.memory_space<any>>) dst(%dma_wait3A_127 : memref<2048x1xi32, #tpu.memory_space<vmem>>)
      %add3A_130 = arith.constant 1 : i32
      %add3A_131 = arith.addi %while3A_105, %add3A_130 : i32
      %lt3A = arith.cmpi slt, %add3A_131, %select_n3A_64 : i32
      %convert_element_type3A_132 = arith.extui %lt3A : i1 to i32
      %cond3A_133 = arith.constant 0 : i32
      %cond3A_134 = arith.cmpi ne, %convert_element_type3A_132, %cond3A_133 : i32
      scf.if %cond3A_134 {
        %add3A_322 = arith.constant 1 : i32
        %add3A_323 = arith.addi %while3A_105, %add3A_322 : i32
        %rem3A_324 = arith.constant 2 : i32
        %rem3A_325 = arith.remsi %add3A_323, %rem3A_324 : i32
        %mul3A_326 = arith.constant 2048 : i32
        %mul3A_327 = arith.muli %add3A_323, %mul3A_326 : i32
        %add3A_328 = arith.addi %mul3A_17, %mul3A_327 : i32
        %dma_start3A = tpu.memref_slice %arg26[%rem3A_325] : memref<2x!tpu.dma_semaphore, #tpu.memory_space<semaphore_mem>> -> memref<1x!tpu.dma_semaphore, #tpu.memory_space<semaphore_mem>>
        %dma_start3A_329 = tpu.memref_squeeze %dma_start3A : memref<1x!tpu.dma_semaphore, #tpu.memory_space<semaphore_mem>> -> memref<!tpu.dma_semaphore, #tpu.memory_space<semaphore_mem>>
        %dma_start3A_330 = arith.constant 0 : i32
        %dma_start3A_331 = arith.constant 0 : i32
        %dma_start3A_332 = tpu.memref_slice %arg24[%rem3A_325, %dma_start3A_330, %dma_start3A_331] : memref<2x2048x128xf32, #tpu.memory_space<vmem>> -> memref<1x2048x128xf32, #tpu.memory_space<vmem>>
        %dma_start3A_333 = tpu.memref_squeeze %dma_start3A_332 : memref<1x2048x128xf32, #tpu.memory_space<vmem>> -> memref<2048x128xf32, #tpu.memory_space<vmem>>
        %dma_start3A_334 = arith.constant 0 : i32
        %dma_start3A_335 = tpu.memref_slice %arg2[%add3A_328, %dma_start3A_334] : memref<323584x128xf32, #tpu.memory_space<any>> -> memref<2048x128xf32, #tpu.memory_space<any>>
        tpu.enqueue_dma source(%dma_start3A_335 : memref<2048x128xf32, #tpu.memory_space<any>>) target(%dma_start3A_333 : memref<2048x128xf32, #tpu.memory_space<vmem>>) target_semaphore(%dma_start3A_329 : memref<!tpu.dma_semaphore, #tpu.memory_space<semaphore_mem>>)
        %dma_start3A_336 = tpu.memref_slice %arg27[%rem3A_325] : memref<2x!tpu.dma_semaphore, #tpu.memory_space<semaphore_mem>> -> memref<1x!tpu.dma_semaphore, #tpu.memory_space<semaphore_mem>>
        %dma_start3A_337 = tpu.memref_squeeze %dma_start3A_336 : memref<1x!tpu.dma_semaphore, #tpu.memory_space<semaphore_mem>> -> memref<!tpu.dma_semaphore, #tpu.memory_space<semaphore_mem>>
        %dma_start3A_338 = arith.constant 0 : i32
        %dma_start3A_339 = arith.constant 0 : i32
        %dma_start3A_340 = tpu.memref_slice %arg25[%rem3A_325, %dma_start3A_338, %dma_start3A_339] : memref<2x2048x1xi32, #tpu.memory_space<vmem>> -> memref<1x2048x1xi32, #tpu.memory_space<vmem>>
        %dma_start3A_341 = tpu.memref_squeeze %dma_start3A_340 : memref<1x2048x1xi32, #tpu.memory_space<vmem>> -> memref<2048x1xi32, #tpu.memory_space<vmem>>
        %dma_start3A_342 = arith.constant 0 : i32
        %dma_start3A_343 = tpu.memref_slice %arg3[%add3A_328, %dma_start3A_342] : memref<323584x1xi32, #tpu.memory_space<any>> -> memref<2048x1xi32, #tpu.memory_space<any>>
        tpu.enqueue_dma source(%dma_start3A_343 : memref<2048x1xi32, #tpu.memory_space<any>>) target(%dma_start3A_341 : memref<2048x1xi32, #tpu.memory_space<vmem>>) target_semaphore(%dma_start3A_337 : memref<!tpu.dma_semaphore, #tpu.memory_space<semaphore_mem>>)
      } else {
      }
      %get3A_135 = arith.index_cast %rem3A_109 : i32 to index
      %get3A_136 = arith.constant 0 : index
      %get3A_137 = arith.constant 0 : index
      %get3A_138 = vector.load %arg25[%get3A_135, %get3A_136, %get3A_137] : memref<2x2048x1xi32, #tpu.memory_space<vmem>>, vector<1x2048x1xi32>
      %get3A_139 = vector.shape_cast %get3A_138 : vector<1x2048x1xi32> to vector<2048x1xi32>
      %mul3A_140 = arith.constant 128 : i32
      %mul3A_141 = arith.muli %arg0, %mul3A_140 : i32
      %sub3A_142 = vector.broadcast %mul3A_141 : i32 to vector<2048x1xi32>
      %sub3A_143 = arith.subi %get3A_139, %sub3A_142 : vector<2048x1xi32>
      %iota3A = tpu.iota {dimensions = array<i32: 1>} : vector<2048x128xi32>
      %eq3A = vector.broadcast %sub3A_143 : vector<2048x1xi32> to vector<2048x128xi32>
      %eq3A_144 = arith.cmpi eq, %eq3A, %iota3A : vector<2048x128xi32>
      %convert_element_type3A_145 = arith.extui %eq3A_144 : vector<2048x128xi1> to vector<2048x128xi32>
      %convert_element_type3A_146 = arith.sitofp %convert_element_type3A_145 : vector<2048x128xi32> to vector<2048x128xf32>
      %get3A_147 = arith.index_cast %rem3A_109 : i32 to index
      %get3A_148 = arith.constant 0 : index
      %get3A_149 = arith.constant 0 : index
      %get3A_150 = vector.load %arg24[%get3A_147, %get3A_148, %get3A_149] : memref<2x2048x128xf32, #tpu.memory_space<vmem>>, vector<1x2048x128xf32>
      %get3A_151 = vector.shape_cast %get3A_150 : vector<1x2048x128xf32> to vector<2048x128xf32>
      %bitcast_convert_type3A = tpu.bitcast %get3A_151 : vector<2048x128xf32> -> vector<2048x128xi32>
      %shift_left3A = arith.constant 16 : i32
      %shift_left3A_152 = vector.broadcast %shift_left3A : i32 to vector<2048x128xi32>
      %shift_left3A_153 = arith.shli %bitcast_convert_type3A, %shift_left3A_152 : vector<2048x128xi32>
      %get3A_154 = arith.constant 0 : index
      %get3A_155 = arith.constant 0 : index
      %get3A_156 = vector.load %arg19[%get3A_154, %get3A_155] : memref<1x128xi32, #tpu.memory_space<vmem>>, vector<1x128xi32>
      %and3A_157 = vector.broadcast %get3A_156 : vector<1x128xi32> to vector<2048x128xi32>
      %and3A_158 = arith.andi %shift_left3A_153, %and3A_157 : vector<2048x128xi32>
      %bitcast_convert_type3A_159 = tpu.bitcast %and3A_158 : vector<2048x128xi32> -> vector<2048x128xf32>
      %and3A_160 = arith.constant -65536 : i32
      %and3A_161 = vector.broadcast %and3A_160 : i32 to vector<2048x128xi32>
      %and3A_162 = arith.andi %bitcast_convert_type3A, %and3A_161 : vector<2048x128xi32>
      %bitcast_convert_type3A_163 = tpu.bitcast %and3A_162 : vector<2048x128xi32> -> vector<2048x128xf32>
      %get3A_164 = arith.constant 0 : index
      %get3A_165 = arith.constant 0 : index
      %get3A_166 = vector.load %arg20[%get3A_164, %get3A_165] : memref<128x128xf32, #tpu.memory_space<vmem>>, vector<128x128xf32>
      %dot_general3A_167 = arith.constant dense<0.000000e+00> : vector<2048x128xf32>
      %dot_general3A_168 = tpu.matmul %bitcast_convert_type3A_159, %get3A_166, %dot_general3A_167 {dimension_numbers = #tpu.dot_dimension_numbers<[1], [0], [0], [1], [0, 0, 1, 1], [], []>, transpose_lhs_hint = false} : vector<2048x128xf32>, vector<128x128xf32>, vector<2048x128xf32> -> vector<2048x128xf32>
      %get3A_169 = arith.constant 0 : index
      %get3A_170 = arith.constant 0 : index
      %get3A_171 = vector.load %arg21[%get3A_169, %get3A_170] : memref<128x128xf32, #tpu.memory_space<vmem>>, vector<128x128xf32>
      %dot_general3A_172 = arith.constant dense<0.000000e+00> : vector<2048x128xf32>
      %dot_general3A_173 = tpu.matmul %bitcast_convert_type3A_163, %get3A_171, %dot_general3A_172 {dimension_numbers = #tpu.dot_dimension_numbers<[1], [0], [0], [1], [0, 0, 1, 1], [], []>, transpose_lhs_hint = false} : vector<2048x128xf32>, vector<128x128xf32>, vector<2048x128xf32> -> vector<2048x128xf32>
      %add3A_174 = arith.addf %dot_general3A_168, %dot_general3A_173 : vector<2048x128xf32>
      %slice3A = vector.extract_strided_slice %get3A_151 {offsets = [0, 64], sizes = [2048, 16], strides = [1, 1]} : vector<2048x128xf32> to vector<2048x16xf32>
      %get3A_175 = arith.constant 0 : index
      %get3A_176 = arith.constant 0 : index
      %get3A_177 = vector.load %arg5[%get3A_175, %get3A_176] : memref<128x16xf32, #tpu.memory_space<vmem>>, vector<128x16xf32>
      %dot_general3A_178 = arith.constant dense<0.000000e+00> : vector<2048x16xf32>
      %dot_general3A_179 = tpu.matmul %convert_element_type3A_146, %get3A_177, %dot_general3A_178 {dimension_numbers = #tpu.dot_dimension_numbers<[1], [0], [0], [1], [0, 0, 1, 1], [], []>, transpose_lhs_hint = false} : vector<2048x128xf32>, vector<128x16xf32>, vector<2048x16xf32> -> vector<2048x16xf32>
      %sub3A_180 = arith.subf %dot_general3A_179, %slice3A : vector<2048x16xf32>
      %mul3A_181 = arith.mulf %sub3A_180, %sub3A_180 : vector<2048x16xf32>
      %get3A_182 = arith.constant 0 : index
      %get3A_183 = arith.constant 0 : index
      %get3A_184 = vector.load %arg22[%get3A_182, %get3A_183] : memref<16x8xf32, #tpu.memory_space<vmem>>, vector<16x8xf32>
      %dot_general3A_185 = arith.constant dense<0.000000e+00> : vector<2048x8xf32>
      %dot_general3A_186 = tpu.matmul %mul3A_181, %get3A_184, %dot_general3A_185 {dimension_numbers = #tpu.dot_dimension_numbers<[1], [0], [0], [1], [0, 0, 1, 1], [], []>, transpose_lhs_hint = false} : vector<2048x16xf32>, vector<16x8xf32>, vector<2048x8xf32> -> vector<2048x8xf32>
      %slice3A_187 = vector.extract_strided_slice %dot_general3A_186 {offsets = [0, 0], sizes = [2048, 1], strides = [1, 1]} : vector<2048x8xf32> to vector<2048x1xf32>
      %add3A_188 = arith.constant 9.99999996E-13 : f32
      %add3A_189 = vector.broadcast %add3A_188 : f32 to vector<2048x1xf32>
      %add3A_190 = arith.addf %slice3A_187, %add3A_189 : vector<2048x1xf32>
      %sqrt3A = math.sqrt %add3A_190 : vector<2048x1xf32>
      %iota3A_191 = tpu.iota {dimensions = array<i32: 1>} : vector<2048x32xi32>
      %add3A_192 = arith.constant 1 : i32
      %add3A_193 = vector.broadcast %add3A_192 : i32 to vector<2048x32xi32>
      %add3A_194 = arith.addi %iota3A_191, %add3A_193 : vector<2048x32xi32>
      %convert_element_type3A_195 = arith.sitofp %add3A_194 : vector<2048x32xi32> to vector<2048x32xf32>
      %mul3A_196 = arith.constant 0.314159274 : f32
      %mul3A_197 = vector.broadcast %mul3A_196 : f32 to vector<2048x1xf32>
      %mul3A_198 = arith.mulf %mul3A_197, %sqrt3A : vector<2048x1xf32>
      %mul3A_199 = vector.broadcast %mul3A_198 : vector<2048x1xf32> to vector<2048x32xf32>
      %mul3A_200 = arith.mulf %convert_element_type3A_195, %mul3A_199 : vector<2048x32xf32>
      %mul3A_201 = arith.constant 0.159154937 : f32
      %mul3A_202 = vector.broadcast %mul3A_201 : f32 to vector<2048x32xf32>
      %mul3A_203 = arith.mulf %mul3A_200, %mul3A_202 : vector<2048x32xf32>
      %round3A = math.roundeven %mul3A_203 : vector<2048x32xf32>
      %mul3A_204 = arith.constant 6.281250e+00 : f32
      %mul3A_205 = vector.broadcast %mul3A_204 : f32 to vector<2048x32xf32>
      %mul3A_206 = arith.mulf %round3A, %mul3A_205 : vector<2048x32xf32>
      %sub3A_207 = arith.subf %mul3A_200, %mul3A_206 : vector<2048x32xf32>
      %mul3A_208 = arith.constant 0.00193530717 : f32
      %mul3A_209 = vector.broadcast %mul3A_208 : f32 to vector<2048x32xf32>
      %mul3A_210 = arith.mulf %round3A, %mul3A_209 : vector<2048x32xf32>
      %sub3A_211 = arith.subf %sub3A_207, %mul3A_210 : vector<2048x32xf32>
      %mul3A_212 = arith.mulf %sub3A_211, %sub3A_211 : vector<2048x32xf32>
      %mul3A_213 = arith.constant -2.05340793E-8 : f32
      %mul3A_214 = vector.broadcast %mul3A_213 : f32 to vector<2048x32xf32>
      %mul3A_215 = arith.mulf %mul3A_214, %mul3A_212 : vector<2048x32xf32>
      %add3A_216 = arith.constant 2.70404735E-6 : f32
      %add3A_217 = vector.broadcast %add3A_216 : f32 to vector<2048x32xf32>
      %add3A_218 = arith.addf %mul3A_215, %add3A_217 : vector<2048x32xf32>
      %mul3A_219 = arith.mulf %add3A_218, %mul3A_212 : vector<2048x32xf32>
      %add3A_220 = arith.constant -1.98125723E-4 : f32
      %add3A_221 = vector.broadcast %add3A_220 : f32 to vector<2048x32xf32>
      %add3A_222 = arith.addf %mul3A_219, %add3A_221 : vector<2048x32xf32>
      %mul3A_223 = arith.mulf %add3A_222, %mul3A_212 : vector<2048x32xf32>
      %add3A_224 = arith.constant 0.00833255798 : f32
      %add3A_225 = vector.broadcast %add3A_224 : f32 to vector<2048x32xf32>
      %add3A_226 = arith.addf %mul3A_223, %add3A_225 : vector<2048x32xf32>
      %mul3A_227 = arith.mulf %add3A_226, %mul3A_212 : vector<2048x32xf32>
      %add3A_228 = arith.constant -0.166665778 : f32
      %add3A_229 = vector.broadcast %add3A_228 : f32 to vector<2048x32xf32>
      %add3A_230 = arith.addf %mul3A_227, %add3A_229 : vector<2048x32xf32>
      %mul3A_231 = arith.mulf %add3A_230, %mul3A_212 : vector<2048x32xf32>
      %add3A_232 = arith.constant 0.999999701 : f32
      %add3A_233 = vector.broadcast %add3A_232 : f32 to vector<2048x32xf32>
      %add3A_234 = arith.addf %mul3A_231, %add3A_233 : vector<2048x32xf32>
      %mul3A_235 = arith.mulf %add3A_234, %sub3A_211 : vector<2048x32xf32>
      %sqrt3A_236 = arith.constant 2.000000e-01 : f32
      %sqrt3A_237 = math.sqrt %sqrt3A_236 : f32
      %add3A_238 = arith.constant 9.99999997E-7 : f32
      %add3A_239 = vector.broadcast %add3A_238 : f32 to vector<2048x1xf32>
      %add3A_240 = arith.addf %sqrt3A, %add3A_239 : vector<2048x1xf32>
      %div3A_241 = vector.broadcast %sqrt3A_237 : f32 to vector<2048x1xf32>
      %div3A_242 = arith.divf %div3A_241, %add3A_240 : vector<2048x1xf32>
      %mul3A_243 = vector.broadcast %div3A_242 : vector<2048x1xf32> to vector<2048x32xf32>
      %mul3A_244 = arith.mulf %mul3A_235, %mul3A_243 : vector<2048x32xf32>
      %get3A_245 = arith.constant 0 : index
      %get3A_246 = arith.constant 0 : index
      %get3A_247 = vector.load %arg8[%get3A_245, %get3A_246] : memref<32x64xf32, #tpu.memory_space<vmem>>, vector<32x64xf32>
      %dot_general3A_248 = arith.constant dense<0.000000e+00> : vector<2048x64xf32>
      %dot_general3A_249 = tpu.matmul %mul3A_244, %get3A_247, %dot_general3A_248 {dimension_numbers = #tpu.dot_dimension_numbers<[1], [0], [0], [1], [0, 0, 1, 1], [], []>, transpose_lhs_hint = false} : vector<2048x32xf32>, vector<32x64xf32>, vector<2048x64xf32> -> vector<2048x64xf32>
      %dot_general3A_250 = arith.constant dense<0.000000e+00> : vector<2048x64xf32>
      %dot_general3A_251 = tpu.matmul %convert_element_type3A_146, %dot_general3A_36, %dot_general3A_250 {dimension_numbers = #tpu.dot_dimension_numbers<[1], [0], [0], [1], [0, 0, 1, 1], [], []>, transpose_lhs_hint = false} : vector<2048x128xf32>, vector<128x64xf32>, vector<2048x64xf32> -> vector<2048x64xf32>
      %add3A_252 = arith.addf %dot_general3A_249, %dot_general3A_251 : vector<2048x64xf32>
      %get3A_253 = arith.constant 0 : index
      %get3A_254 = arith.constant 0 : index
      %get3A_255 = vector.load %arg10[%get3A_253, %get3A_254] : memref<1x64xf32, #tpu.memory_space<vmem>>, vector<1x64xf32>
      %add3A_256 = vector.broadcast %get3A_255 : vector<1x64xf32> to vector<2048x64xf32>
      %add3A_257 = arith.addf %add3A_252, %add3A_256 : vector<2048x64xf32>
      %logistic3A = arith.negf %add3A_257 : vector<2048x64xf32>
      %logistic3A_258 = math.exp %logistic3A : vector<2048x64xf32>
      %logistic3A_259 = arith.constant 1.000000e+00 : f32
      %logistic3A_260 = vector.broadcast %logistic3A_259 : f32 to vector<2048x64xf32>
      %logistic3A_261 = arith.addf %logistic3A_260, %logistic3A_258 : vector<2048x64xf32>
      %logistic3A_262 = arith.divf %logistic3A_260, %logistic3A_261 : vector<2048x64xf32>
      %mul3A_263 = arith.mulf %add3A_257, %logistic3A_262 : vector<2048x64xf32>
      %get3A_264 = arith.constant 0 : index
      %get3A_265 = arith.constant 0 : index
      %get3A_266 = vector.load %arg11[%get3A_264, %get3A_265] : memref<64x64xf32, #tpu.memory_space<vmem>>, vector<64x64xf32>
      %dot_general3A_267 = arith.constant dense<0.000000e+00> : vector<2048x64xf32>
      %dot_general3A_268 = tpu.matmul %mul3A_263, %get3A_266, %dot_general3A_267 {dimension_numbers = #tpu.dot_dimension_numbers<[1], [0], [0], [1], [0, 0, 1, 1], [], []>, transpose_lhs_hint = false} : vector<2048x64xf32>, vector<64x64xf32>, vector<2048x64xf32> -> vector<2048x64xf32>
      %get3A_269 = arith.constant 0 : index
      %get3A_270 = arith.constant 0 : index
      %get3A_271 = vector.load %arg12[%get3A_269, %get3A_270] : memref<1x64xf32, #tpu.memory_space<vmem>>, vector<1x64xf32>
      %add3A_272 = vector.broadcast %get3A_271 : vector<1x64xf32> to vector<2048x64xf32>
      %add3A_273 = arith.addf %dot_general3A_268, %add3A_272 : vector<2048x64xf32>
      %logistic3A_274 = arith.negf %add3A_273 : vector<2048x64xf32>
      %logistic3A_275 = math.exp %logistic3A_274 : vector<2048x64xf32>
      %logistic3A_276 = arith.constant 1.000000e+00 : f32
      %logistic3A_277 = vector.broadcast %logistic3A_276 : f32 to vector<2048x64xf32>
      %logistic3A_278 = arith.addf %logistic3A_277, %logistic3A_275 : vector<2048x64xf32>
      %logistic3A_279 = arith.divf %logistic3A_277, %logistic3A_278 : vector<2048x64xf32>
      %mul3A_280 = arith.mulf %add3A_273, %logistic3A_279 : vector<2048x64xf32>
      %get3A_281 = arith.constant 0 : index
      %get3A_282 = arith.constant 0 : index
      %get3A_283 = vector.load %arg13[%get3A_281, %get3A_282] : memref<64x128xf32, #tpu.memory_space<vmem>>, vector<64x128xf32>
      %dot_general3A_284 = arith.constant dense<0.000000e+00> : vector<2048x128xf32>
      %dot_general3A_285 = tpu.matmul %mul3A_280, %get3A_283, %dot_general3A_284 {dimension_numbers = #tpu.dot_dimension_numbers<[1], [0], [0], [1], [0, 0, 1, 1], [], []>, transpose_lhs_hint = false} : vector<2048x64xf32>, vector<64x128xf32>, vector<2048x128xf32> -> vector<2048x128xf32>
      %mul3A_286 = arith.mulf %add3A_174, %dot_general3A_285 : vector<2048x128xf32>
      %dot_general3A_287 = arith.constant dense<0.000000e+00> : vector<2048x128xf32>
      %dot_general3A_288 = tpu.matmul %convert_element_type3A_146, %dot_general3A_28, %dot_general3A_287 {dimension_numbers = #tpu.dot_dimension_numbers<[1], [0], [0], [1], [0, 0, 1, 1], [], []>, transpose_lhs_hint = false} : vector<2048x128xf32>, vector<128x128xf32>, vector<2048x128xf32> -> vector<2048x128xf32>
      %add3A_289 = arith.addf %dot_general3A_288, %mul3A_286 : vector<2048x128xf32>
      %ge3A = arith.constant 0.000000e+00 : f32
      %ge3A_290 = vector.broadcast %ge3A : f32 to vector<2048x128xf32>
      %ge3A_291 = arith.cmpf oge, %add3A_289, %ge3A_290 : vector<2048x128xf32>
      %mul3A_292 = arith.constant 2.000000e-01 : f32
      %mul3A_293 = vector.broadcast %mul3A_292 : f32 to vector<2048x128xf32>
      %mul3A_294 = arith.mulf %mul3A_293, %add3A_289 : vector<2048x128xf32>
      %select_n3A_295 = arith.select %ge3A_291, %add3A_289, %mul3A_294 : vector<2048x128xi1>, vector<2048x128xf32>
      %get3A_296 = arith.constant 0 : index
      %get3A_297 = arith.constant 0 : index
      %get3A_298 = vector.load %arg14[%get3A_296, %get3A_297] : memref<1x128xf32, #tpu.memory_space<vmem>>, vector<1x128xf32>
      %mul3A_299 = vector.broadcast %get3A_298 : vector<1x128xf32> to vector<2048x128xf32>
      %mul3A_300 = arith.mulf %select_n3A_295, %mul3A_299 : vector<2048x128xf32>
      %get3A_301 = arith.constant 0 : index
      %get3A_302 = arith.constant 0 : index
      %get3A_303 = vector.load %arg15[%get3A_301, %get3A_302] : memref<128x8xf32, #tpu.memory_space<vmem>>, vector<128x8xf32>
      %dot_general3A_304 = arith.constant dense<0.000000e+00> : vector<2048x8xf32>
      %dot_general3A_305 = tpu.matmul %mul3A_300, %get3A_303, %dot_general3A_304 {dimension_numbers = #tpu.dot_dimension_numbers<[1], [0], [0], [1], [0, 0, 1, 1], [], []>, transpose_lhs_hint = false} : vector<2048x128xf32>, vector<128x8xf32>, vector<2048x8xf32> -> vector<2048x8xf32>
      %jit3A_306 = arith.constant -8.000000e+01 : f32
      %jit3A_307 = arith.constant 8.000000e+01 : f32
      %max3A = vector.broadcast %jit3A_306 : f32 to vector<2048x8xf32>
      %max3A_308 = arith.maximumf %max3A, %dot_general3A_305 : vector<2048x8xf32>
      %min3A = vector.broadcast %jit3A_307 : f32 to vector<2048x8xf32>
      %min3A_309 = arith.minimumf %min3A, %max3A_308 : vector<2048x8xf32>
      %exp3A = math.exp %min3A_309 : vector<2048x8xf32>
      %get3A_310 = arith.constant 0 : index
      %get3A_311 = arith.constant 0 : index
      %get3A_312 = vector.load %arg16[%get3A_310, %get3A_311] : memref<8x128xf32, #tpu.memory_space<vmem>>, vector<8x128xf32>
      %dot_general3A_313 = arith.constant dense<0.000000e+00> : vector<2048x128xf32>
      %dot_general3A_314 = tpu.matmul %exp3A, %get3A_312, %dot_general3A_313 {dimension_numbers = #tpu.dot_dimension_numbers<[1], [0], [0], [1], [0, 0, 1, 1], [], []>, transpose_lhs_hint = false} : vector<2048x8xf32>, vector<8x128xf32>, vector<2048x128xf32> -> vector<2048x128xf32>
      %mul3A_315 = arith.mulf %dot_general3A_314, %mul3A_286 : vector<2048x128xf32>
      %dot_general3A_316 = arith.constant dense<0.000000e+00> : vector<128x128xf32>
      %dot_general3A_317 = tpu.matmul %convert_element_type3A_146, %mul3A_315, %dot_general3A_316 {dimension_numbers = #tpu.dot_dimension_numbers<[0], [0], [1], [1], [0, 1, 1, 1], [], []>, transpose_lhs_hint = false} : vector<2048x128xf32>, vector<2048x128xf32>, vector<128x128xf32> -> vector<128x128xf32>
      %add3A_318 = arith.addf %while3A_106, %dot_general3A_317 : vector<128x128xf32>
      %dot_general3A_319 = arith.constant dense<0.000000e+00> : vector<128x8xf32>
      %dot_general3A_320 = tpu.matmul %convert_element_type3A_146, %exp3A, %dot_general3A_319 {dimension_numbers = #tpu.dot_dimension_numbers<[0], [0], [1], [1], [0, 1, 1, 1], [], []>, transpose_lhs_hint = false} : vector<2048x128xf32>, vector<2048x8xf32>, vector<128x8xf32> -> vector<128x8xf32>
      %add3A_321 = arith.addf %while3A_107, %dot_general3A_320 : vector<128x8xf32>
      scf.yield %add3A_318, %add3A_321 : vector<128x128xf32>, vector<128x8xf32>
    }
    %while3A_78 = arith.constant 1 : i32
    %while3A_79:2 = scf.for %while3A_105 = %while3A_75 to %while3A_71 step %while3A_78 iter_args(%while3A_106 = %while3A_77#0, %while3A_107 = %while3A_77#1) -> (vector<128x128xf32>, vector<128x8xf32>)  : i32 {
      %rem3A_108 = arith.constant 2 : i32
      %rem3A_109 = arith.remsi %while3A_105, %rem3A_108 : i32
      %rem3A_110 = arith.constant 2 : i32
      %rem3A_111 = arith.remsi %while3A_105, %rem3A_110 : i32
      %mul3A_112 = arith.constant 2048 : i32
      %mul3A_113 = arith.muli %while3A_105, %mul3A_112 : i32
      %add3A_114 = arith.addi %mul3A_17, %mul3A_113 : i32
      %dma_wait3A = tpu.memref_slice %arg26[%rem3A_111] : memref<2x!tpu.dma_semaphore, #tpu.memory_space<semaphore_mem>> -> memref<1x!tpu.dma_semaphore, #tpu.memory_space<semaphore_mem>>
      %dma_wait3A_115 = tpu.memref_squeeze %dma_wait3A : memref<1x!tpu.dma_semaphore, #tpu.memory_space<semaphore_mem>> -> memref<!tpu.dma_semaphore, #tpu.memory_space<semaphore_mem>>
      %dma_wait3A_116 = arith.constant 0 : i32
      %dma_wait3A_117 = arith.constant 0 : i32
      %dma_wait3A_118 = tpu.memref_slice %arg24[%rem3A_111, %dma_wait3A_116, %dma_wait3A_117] : memref<2x2048x128xf32, #tpu.memory_space<vmem>> -> memref<1x2048x128xf32, #tpu.memory_space<vmem>>
      %dma_wait3A_119 = tpu.memref_squeeze %dma_wait3A_118 : memref<1x2048x128xf32, #tpu.memory_space<vmem>> -> memref<2048x128xf32, #tpu.memory_space<vmem>>
      %dma_wait3A_120 = arith.constant 0 : i32
      %dma_wait3A_121 = tpu.memref_slice %arg2[%add3A_114, %dma_wait3A_120] : memref<323584x128xf32, #tpu.memory_space<any>> -> memref<2048x128xf32, #tpu.memory_space<any>>
      tpu.wait_dma2 semaphore(%dma_wait3A_115 : memref<!tpu.dma_semaphore, #tpu.memory_space<semaphore_mem>>) src(%dma_wait3A_121 : memref<2048x128xf32, #tpu.memory_space<any>>) dst(%dma_wait3A_119 : memref<2048x128xf32, #tpu.memory_space<vmem>>)
      %dma_wait3A_122 = tpu.memref_slice %arg27[%rem3A_111] : memref<2x!tpu.dma_semaphore, #tpu.memory_space<semaphore_mem>> -> memref<1x!tpu.dma_semaphore, #tpu.memory_space<semaphore_mem>>
      %dma_wait3A_123 = tpu.memref_squeeze %dma_wait3A_122 : memref<1x!tpu.dma_semaphore, #tpu.memory_space<semaphore_mem>> -> memref<!tpu.dma_semaphore, #tpu.memory_space<semaphore_mem>>
      %dma_wait3A_124 = arith.constant 0 : i32
      %dma_wait3A_125 = arith.constant 0 : i32
      %dma_wait3A_126 = tpu.memref_slice %arg25[%rem3A_111, %dma_wait3A_124, %dma_wait3A_125] : memref<2x2048x1xi32, #tpu.memory_space<vmem>> -> memref<1x2048x1xi32, #tpu.memory_space<vmem>>
      %dma_wait3A_127 = tpu.memref_squeeze %dma_wait3A_126 : memref<1x2048x1xi32, #tpu.memory_space<vmem>> -> memref<2048x1xi32, #tpu.memory_space<vmem>>
      %dma_wait3A_128 = arith.constant 0 : i32
      %dma_wait3A_129 = tpu.memref_slice %arg3[%add3A_114, %dma_wait3A_128] : memref<323584x1xi32, #tpu.memory_space<any>> -> memref<2048x1xi32, #tpu.memory_space<any>>
      tpu.wait_dma2 semaphore(%dma_wait3A_123 : memref<!tpu.dma_semaphore, #tpu.memory_space<semaphore_mem>>) src(%dma_wait3A_129 : memref<2048x1xi32, #tpu.memory_space<any>>) dst(%dma_wait3A_127 : memref<2048x1xi32, #tpu.memory_space<vmem>>)
      %add3A_130 = arith.constant 1 : i32
      %add3A_131 = arith.addi %while3A_105, %add3A_130 : i32
      %lt3A = arith.cmpi slt, %add3A_131, %select_n3A_64 : i32
      %convert_element_type3A_132 = arith.extui %lt3A : i1 to i32
      %cond3A_133 = arith.constant 0 : i32
      %cond3A_134 = arith.cmpi ne, %convert_element_type3A_132, %cond3A_133 : i32
      scf.if %cond3A_134 {
        %add3A_322 = arith.constant 1 : i32
        %add3A_323 = arith.addi %while3A_105, %add3A_322 : i32
        %rem3A_324 = arith.constant 2 : i32
        %rem3A_325 = arith.remsi %add3A_323, %rem3A_324 : i32
        %mul3A_326 = arith.constant 2048 : i32
        %mul3A_327 = arith.muli %add3A_323, %mul3A_326 : i32
        %add3A_328 = arith.addi %mul3A_17, %mul3A_327 : i32
        %dma_start3A = tpu.memref_slice %arg26[%rem3A_325] : memref<2x!tpu.dma_semaphore, #tpu.memory_space<semaphore_mem>> -> memref<1x!tpu.dma_semaphore, #tpu.memory_space<semaphore_mem>>
        %dma_start3A_329 = tpu.memref_squeeze %dma_start3A : memref<1x!tpu.dma_semaphore, #tpu.memory_space<semaphore_mem>> -> memref<!tpu.dma_semaphore, #tpu.memory_space<semaphore_mem>>
        %dma_start3A_330 = arith.constant 0 : i32
        %dma_start3A_331 = arith.constant 0 : i32
        %dma_start3A_332 = tpu.memref_slice %arg24[%rem3A_325, %dma_start3A_330, %dma_start3A_331] : memref<2x2048x128xf32, #tpu.memory_space<vmem>> -> memref<1x2048x128xf32, #tpu.memory_space<vmem>>
        %dma_start3A_333 = tpu.memref_squeeze %dma_start3A_332 : memref<1x2048x128xf32, #tpu.memory_space<vmem>> -> memref<2048x128xf32, #tpu.memory_space<vmem>>
        %dma_start3A_334 = arith.constant 0 : i32
        %dma_start3A_335 = tpu.memref_slice %arg2[%add3A_328, %dma_start3A_334] : memref<323584x128xf32, #tpu.memory_space<any>> -> memref<2048x128xf32, #tpu.memory_space<any>>
        tpu.enqueue_dma source(%dma_start3A_335 : memref<2048x128xf32, #tpu.memory_space<any>>) target(%dma_start3A_333 : memref<2048x128xf32, #tpu.memory_space<vmem>>) target_semaphore(%dma_start3A_329 : memref<!tpu.dma_semaphore, #tpu.memory_space<semaphore_mem>>)
        %dma_start3A_336 = tpu.memref_slice %arg27[%rem3A_325] : memref<2x!tpu.dma_semaphore, #tpu.memory_space<semaphore_mem>> -> memref<1x!tpu.dma_semaphore, #tpu.memory_space<semaphore_mem>>
        %dma_start3A_337 = tpu.memref_squeeze %dma_start3A_336 : memref<1x!tpu.dma_semaphore, #tpu.memory_space<semaphore_mem>> -> memref<!tpu.dma_semaphore, #tpu.memory_space<semaphore_mem>>
        %dma_start3A_338 = arith.constant 0 : i32
        %dma_start3A_339 = arith.constant 0 : i32
        %dma_start3A_340 = tpu.memref_slice %arg25[%rem3A_325, %dma_start3A_338, %dma_start3A_339] : memref<2x2048x1xi32, #tpu.memory_space<vmem>> -> memref<1x2048x1xi32, #tpu.memory_space<vmem>>
        %dma_start3A_341 = tpu.memref_squeeze %dma_start3A_340 : memref<1x2048x1xi32, #tpu.memory_space<vmem>> -> memref<2048x1xi32, #tpu.memory_space<vmem>>
        %dma_start3A_342 = arith.constant 0 : i32
        %dma_start3A_343 = tpu.memref_slice %arg3[%add3A_328, %dma_start3A_342] : memref<323584x1xi32, #tpu.memory_space<any>> -> memref<2048x1xi32, #tpu.memory_space<any>>
        tpu.enqueue_dma source(%dma_start3A_343 : memref<2048x1xi32, #tpu.memory_space<any>>) target(%dma_start3A_341 : memref<2048x1xi32, #tpu.memory_space<vmem>>) target_semaphore(%dma_start3A_337 : memref<!tpu.dma_semaphore, #tpu.memory_space<semaphore_mem>>)
      } else {
      }
      %get3A_135 = arith.index_cast %rem3A_109 : i32 to index
      %get3A_136 = arith.constant 0 : index
      %get3A_137 = arith.constant 0 : index
      %get3A_138 = vector.load %arg25[%get3A_135, %get3A_136, %get3A_137] : memref<2x2048x1xi32, #tpu.memory_space<vmem>>, vector<1x2048x1xi32>
      %get3A_139 = vector.shape_cast %get3A_138 : vector<1x2048x1xi32> to vector<2048x1xi32>
      %mul3A_140 = arith.constant 128 : i32
      %mul3A_141 = arith.muli %arg0, %mul3A_140 : i32
      %sub3A_142 = vector.broadcast %mul3A_141 : i32 to vector<2048x1xi32>
      %sub3A_143 = arith.subi %get3A_139, %sub3A_142 : vector<2048x1xi32>
      %iota3A = tpu.iota {dimensions = array<i32: 1>} : vector<2048x128xi32>
      %eq3A = vector.broadcast %sub3A_143 : vector<2048x1xi32> to vector<2048x128xi32>
      %eq3A_144 = arith.cmpi eq, %eq3A, %iota3A : vector<2048x128xi32>
      %convert_element_type3A_145 = arith.extui %eq3A_144 : vector<2048x128xi1> to vector<2048x128xi32>
      %convert_element_type3A_146 = arith.sitofp %convert_element_type3A_145 : vector<2048x128xi32> to vector<2048x128xf32>
      %get3A_147 = arith.index_cast %rem3A_109 : i32 to index
      %get3A_148 = arith.constant 0 : index
      %get3A_149 = arith.constant 0 : index
      %get3A_150 = vector.load %arg24[%get3A_147, %get3A_148, %get3A_149] : memref<2x2048x128xf32, #tpu.memory_space<vmem>>, vector<1x2048x128xf32>
      %get3A_151 = vector.shape_cast %get3A_150 : vector<1x2048x128xf32> to vector<2048x128xf32>
      %bitcast_convert_type3A = tpu.bitcast %get3A_151 : vector<2048x128xf32> -> vector<2048x128xi32>
      %shift_left3A = arith.constant 16 : i32
      %shift_left3A_152 = vector.broadcast %shift_left3A : i32 to vector<2048x128xi32>
      %shift_left3A_153 = arith.shli %bitcast_convert_type3A, %shift_left3A_152 : vector<2048x128xi32>
      %get3A_154 = arith.constant 0 : index
      %get3A_155 = arith.constant 0 : index
      %get3A_156 = vector.load %arg19[%get3A_154, %get3A_155] : memref<1x128xi32, #tpu.memory_space<vmem>>, vector<1x128xi32>
      %and3A_157 = vector.broadcast %get3A_156 : vector<1x128xi32> to vector<2048x128xi32>
      %and3A_158 = arith.andi %shift_left3A_153, %and3A_157 : vector<2048x128xi32>
      %bitcast_convert_type3A_159 = tpu.bitcast %and3A_158 : vector<2048x128xi32> -> vector<2048x128xf32>
      %and3A_160 = arith.constant -65536 : i32
      %and3A_161 = vector.broadcast %and3A_160 : i32 to vector<2048x128xi32>
      %and3A_162 = arith.andi %bitcast_convert_type3A, %and3A_161 : vector<2048x128xi32>
      %bitcast_convert_type3A_163 = tpu.bitcast %and3A_162 : vector<2048x128xi32> -> vector<2048x128xf32>
      %get3A_164 = arith.constant 0 : index
      %get3A_165 = arith.constant 0 : index
      %get3A_166 = vector.load %arg20[%get3A_164, %get3A_165] : memref<128x128xf32, #tpu.memory_space<vmem>>, vector<128x128xf32>
      %dot_general3A_167 = arith.constant dense<0.000000e+00> : vector<2048x128xf32>
      %dot_general3A_168 = tpu.matmul %bitcast_convert_type3A_159, %get3A_166, %dot_general3A_167 {dimension_numbers = #tpu.dot_dimension_numbers<[1], [0], [0], [1], [0, 0, 1, 1], [], []>, transpose_lhs_hint = false} : vector<2048x128xf32>, vector<128x128xf32>, vector<2048x128xf32> -> vector<2048x128xf32>
      %get3A_169 = arith.constant 0 : index
      %get3A_170 = arith.constant 0 : index
      %get3A_171 = vector.load %arg21[%get3A_169, %get3A_170] : memref<128x128xf32, #tpu.memory_space<vmem>>, vector<128x128xf32>
      %dot_general3A_172 = arith.constant dense<0.000000e+00> : vector<2048x128xf32>
      %dot_general3A_173 = tpu.matmul %bitcast_convert_type3A_163, %get3A_171, %dot_general3A_172 {dimension_numbers = #tpu.dot_dimension_numbers<[1], [0], [0], [1], [0, 0, 1, 1], [], []>, transpose_lhs_hint = false} : vector<2048x128xf32>, vector<128x128xf32>, vector<2048x128xf32> -> vector<2048x128xf32>
      %add3A_174 = arith.addf %dot_general3A_168, %dot_general3A_173 : vector<2048x128xf32>
      %slice3A = vector.extract_strided_slice %get3A_151 {offsets = [0, 64], sizes = [2048, 16], strides = [1, 1]} : vector<2048x128xf32> to vector<2048x16xf32>
      %get3A_175 = arith.constant 0 : index
      %get3A_176 = arith.constant 0 : index
      %get3A_177 = vector.load %arg5[%get3A_175, %get3A_176] : memref<128x16xf32, #tpu.memory_space<vmem>>, vector<128x16xf32>
      %dot_general3A_178 = arith.constant dense<0.000000e+00> : vector<2048x16xf32>
      %dot_general3A_179 = tpu.matmul %convert_element_type3A_146, %get3A_177, %dot_general3A_178 {dimension_numbers = #tpu.dot_dimension_numbers<[1], [0], [0], [1], [0, 0, 1, 1], [], []>, transpose_lhs_hint = false} : vector<2048x128xf32>, vector<128x16xf32>, vector<2048x16xf32> -> vector<2048x16xf32>
      %sub3A_180 = arith.subf %dot_general3A_179, %slice3A : vector<2048x16xf32>
      %mul3A_181 = arith.mulf %sub3A_180, %sub3A_180 : vector<2048x16xf32>
      %get3A_182 = arith.constant 0 : index
      %get3A_183 = arith.constant 0 : index
      %get3A_184 = vector.load %arg22[%get3A_182, %get3A_183] : memref<16x8xf32, #tpu.memory_space<vmem>>, vector<16x8xf32>
      %dot_general3A_185 = arith.constant dense<0.000000e+00> : vector<2048x8xf32>
      %dot_general3A_186 = tpu.matmul %mul3A_181, %get3A_184, %dot_general3A_185 {dimension_numbers = #tpu.dot_dimension_numbers<[1], [0], [0], [1], [0, 0, 1, 1], [], []>, transpose_lhs_hint = false} : vector<2048x16xf32>, vector<16x8xf32>, vector<2048x8xf32> -> vector<2048x8xf32>
      %slice3A_187 = vector.extract_strided_slice %dot_general3A_186 {offsets = [0, 0], sizes = [2048, 1], strides = [1, 1]} : vector<2048x8xf32> to vector<2048x1xf32>
      %add3A_188 = arith.constant 9.99999996E-13 : f32
      %add3A_189 = vector.broadcast %add3A_188 : f32 to vector<2048x1xf32>
      %add3A_190 = arith.addf %slice3A_187, %add3A_189 : vector<2048x1xf32>
      %sqrt3A = math.sqrt %add3A_190 : vector<2048x1xf32>
      %iota3A_191 = tpu.iota {dimensions = array<i32: 1>} : vector<2048x32xi32>
      %add3A_192 = arith.constant 1 : i32
      %add3A_193 = vector.broadcast %add3A_192 : i32 to vector<2048x32xi32>
      %add3A_194 = arith.addi %iota3A_191, %add3A_193 : vector<2048x32xi32>
      %convert_element_type3A_195 = arith.sitofp %add3A_194 : vector<2048x32xi32> to vector<2048x32xf32>
      %mul3A_196 = arith.constant 0.314159274 : f32
      %mul3A_197 = vector.broadcast %mul3A_196 : f32 to vector<2048x1xf32>
      %mul3A_198 = arith.mulf %mul3A_197, %sqrt3A : vector<2048x1xf32>
      %mul3A_199 = vector.broadcast %mul3A_198 : vector<2048x1xf32> to vector<2048x32xf32>
      %mul3A_200 = arith.mulf %convert_element_type3A_195, %mul3A_199 : vector<2048x32xf32>
      %mul3A_201 = arith.constant 0.159154937 : f32
      %mul3A_202 = vector.broadcast %mul3A_201 : f32 to vector<2048x32xf32>
      %mul3A_203 = arith.mulf %mul3A_200, %mul3A_202 : vector<2048x32xf32>
      %round3A = math.roundeven %mul3A_203 : vector<2048x32xf32>
      %mul3A_204 = arith.constant 6.281250e+00 : f32
      %mul3A_205 = vector.broadcast %mul3A_204 : f32 to vector<2048x32xf32>
      %mul3A_206 = arith.mulf %round3A, %mul3A_205 : vector<2048x32xf32>
      %sub3A_207 = arith.subf %mul3A_200, %mul3A_206 : vector<2048x32xf32>
      %mul3A_208 = arith.constant 0.00193530717 : f32
      %mul3A_209 = vector.broadcast %mul3A_208 : f32 to vector<2048x32xf32>
      %mul3A_210 = arith.mulf %round3A, %mul3A_209 : vector<2048x32xf32>
      %sub3A_211 = arith.subf %sub3A_207, %mul3A_210 : vector<2048x32xf32>
      %mul3A_212 = arith.mulf %sub3A_211, %sub3A_211 : vector<2048x32xf32>
      %mul3A_213 = arith.constant -2.05340793E-8 : f32
      %mul3A_214 = vector.broadcast %mul3A_213 : f32 to vector<2048x32xf32>
      %mul3A_215 = arith.mulf %mul3A_214, %mul3A_212 : vector<2048x32xf32>
      %add3A_216 = arith.constant 2.70404735E-6 : f32
      %add3A_217 = vector.broadcast %add3A_216 : f32 to vector<2048x32xf32>
      %add3A_218 = arith.addf %mul3A_215, %add3A_217 : vector<2048x32xf32>
      %mul3A_219 = arith.mulf %add3A_218, %mul3A_212 : vector<2048x32xf32>
      %add3A_220 = arith.constant -1.98125723E-4 : f32
      %add3A_221 = vector.broadcast %add3A_220 : f32 to vector<2048x32xf32>
      %add3A_222 = arith.addf %mul3A_219, %add3A_221 : vector<2048x32xf32>
      %mul3A_223 = arith.mulf %add3A_222, %mul3A_212 : vector<2048x32xf32>
      %add3A_224 = arith.constant 0.00833255798 : f32
      %add3A_225 = vector.broadcast %add3A_224 : f32 to vector<2048x32xf32>
      %add3A_226 = arith.addf %mul3A_223, %add3A_225 : vector<2048x32xf32>
      %mul3A_227 = arith.mulf %add3A_226, %mul3A_212 : vector<2048x32xf32>
      %add3A_228 = arith.constant -0.166665778 : f32
      %add3A_229 = vector.broadcast %add3A_228 : f32 to vector<2048x32xf32>
      %add3A_230 = arith.addf %mul3A_227, %add3A_229 : vector<2048x32xf32>
      %mul3A_231 = arith.mulf %add3A_230, %mul3A_212 : vector<2048x32xf32>
      %add3A_232 = arith.constant 0.999999701 : f32
      %add3A_233 = vector.broadcast %add3A_232 : f32 to vector<2048x32xf32>
      %add3A_234 = arith.addf %mul3A_231, %add3A_233 : vector<2048x32xf32>
      %mul3A_235 = arith.mulf %add3A_234, %sub3A_211 : vector<2048x32xf32>
      %sqrt3A_236 = arith.constant 2.000000e-01 : f32
      %sqrt3A_237 = math.sqrt %sqrt3A_236 : f32
      %add3A_238 = arith.constant 9.99999997E-7 : f32
      %add3A_239 = vector.broadcast %add3A_238 : f32 to vector<2048x1xf32>
      %add3A_240 = arith.addf %sqrt3A, %add3A_239 : vector<2048x1xf32>
      %div3A_241 = vector.broadcast %sqrt3A_237 : f32 to vector<2048x1xf32>
      %div3A_242 = arith.divf %div3A_241, %add3A_240 : vector<2048x1xf32>
      %mul3A_243 = vector.broadcast %div3A_242 : vector<2048x1xf32> to vector<2048x32xf32>
      %mul3A_244 = arith.mulf %mul3A_235, %mul3A_243 : vector<2048x32xf32>
      %get3A_245 = arith.constant 0 : index
      %get3A_246 = arith.constant 0 : index
      %get3A_247 = vector.load %arg8[%get3A_245, %get3A_246] : memref<32x64xf32, #tpu.memory_space<vmem>>, vector<32x64xf32>
      %dot_general3A_248 = arith.constant dense<0.000000e+00> : vector<2048x64xf32>
      %dot_general3A_249 = tpu.matmul %mul3A_244, %get3A_247, %dot_general3A_248 {dimension_numbers = #tpu.dot_dimension_numbers<[1], [0], [0], [1], [0, 0, 1, 1], [], []>, transpose_lhs_hint = false} : vector<2048x32xf32>, vector<32x64xf32>, vector<2048x64xf32> -> vector<2048x64xf32>
      %dot_general3A_250 = arith.constant dense<0.000000e+00> : vector<2048x64xf32>
      %dot_general3A_251 = tpu.matmul %convert_element_type3A_146, %dot_general3A_36, %dot_general3A_250 {dimension_numbers = #tpu.dot_dimension_numbers<[1], [0], [0], [1], [0, 0, 1, 1], [], []>, transpose_lhs_hint = false} : vector<2048x128xf32>, vector<128x64xf32>, vector<2048x64xf32> -> vector<2048x64xf32>
      %add3A_252 = arith.addf %dot_general3A_249, %dot_general3A_251 : vector<2048x64xf32>
      %get3A_253 = arith.constant 0 : index
      %get3A_254 = arith.constant 0 : index
      %get3A_255 = vector.load %arg10[%get3A_253, %get3A_254] : memref<1x64xf32, #tpu.memory_space<vmem>>, vector<1x64xf32>
      %add3A_256 = vector.broadcast %get3A_255 : vector<1x64xf32> to vector<2048x64xf32>
      %add3A_257 = arith.addf %add3A_252, %add3A_256 : vector<2048x64xf32>
      %logistic3A = arith.negf %add3A_257 : vector<2048x64xf32>
      %logistic3A_258 = math.exp %logistic3A : vector<2048x64xf32>
      %logistic3A_259 = arith.constant 1.000000e+00 : f32
      %logistic3A_260 = vector.broadcast %logistic3A_259 : f32 to vector<2048x64xf32>
      %logistic3A_261 = arith.addf %logistic3A_260, %logistic3A_258 : vector<2048x64xf32>
      %logistic3A_262 = arith.divf %logistic3A_260, %logistic3A_261 : vector<2048x64xf32>
      %mul3A_263 = arith.mulf %add3A_257, %logistic3A_262 : vector<2048x64xf32>
      %get3A_264 = arith.constant 0 : index
      %get3A_265 = arith.constant 0 : index
      %get3A_266 = vector.load %arg11[%get3A_264, %get3A_265] : memref<64x64xf32, #tpu.memory_space<vmem>>, vector<64x64xf32>
      %dot_general3A_267 = arith.constant dense<0.000000e+00> : vector<2048x64xf32>
      %dot_general3A_268 = tpu.matmul %mul3A_263, %get3A_266, %dot_general3A_267 {dimension_numbers = #tpu.dot_dimension_numbers<[1], [0], [0], [1], [0, 0, 1, 1], [], []>, transpose_lhs_hint = false} : vector<2048x64xf32>, vector<64x64xf32>, vector<2048x64xf32> -> vector<2048x64xf32>
      %get3A_269 = arith.constant 0 : index
      %get3A_270 = arith.constant 0 : index
      %get3A_271 = vector.load %arg12[%get3A_269, %get3A_270] : memref<1x64xf32, #tpu.memory_space<vmem>>, vector<1x64xf32>
      %add3A_272 = vector.broadcast %get3A_271 : vector<1x64xf32> to vector<2048x64xf32>
      %add3A_273 = arith.addf %dot_general3A_268, %add3A_272 : vector<2048x64xf32>
      %logistic3A_274 = arith.negf %add3A_273 : vector<2048x64xf32>
      %logistic3A_275 = math.exp %logistic3A_274 : vector<2048x64xf32>
      %logistic3A_276 = arith.constant 1.000000e+00 : f32
      %logistic3A_277 = vector.broadcast %logistic3A_276 : f32 to vector<2048x64xf32>
      %logistic3A_278 = arith.addf %logistic3A_277, %logistic3A_275 : vector<2048x64xf32>
      %logistic3A_279 = arith.divf %logistic3A_277, %logistic3A_278 : vector<2048x64xf32>
      %mul3A_280 = arith.mulf %add3A_273, %logistic3A_279 : vector<2048x64xf32>
      %get3A_281 = arith.constant 0 : index
      %get3A_282 = arith.constant 0 : index
      %get3A_283 = vector.load %arg13[%get3A_281, %get3A_282] : memref<64x128xf32, #tpu.memory_space<vmem>>, vector<64x128xf32>
      %dot_general3A_284 = arith.constant dense<0.000000e+00> : vector<2048x128xf32>
      %dot_general3A_285 = tpu.matmul %mul3A_280, %get3A_283, %dot_general3A_284 {dimension_numbers = #tpu.dot_dimension_numbers<[1], [0], [0], [1], [0, 0, 1, 1], [], []>, transpose_lhs_hint = false} : vector<2048x64xf32>, vector<64x128xf32>, vector<2048x128xf32> -> vector<2048x128xf32>
      %mul3A_286 = arith.mulf %add3A_174, %dot_general3A_285 : vector<2048x128xf32>
      %dot_general3A_287 = arith.constant dense<0.000000e+00> : vector<2048x128xf32>
      %dot_general3A_288 = tpu.matmul %convert_element_type3A_146, %dot_general3A_28, %dot_general3A_287 {dimension_numbers = #tpu.dot_dimension_numbers<[1], [0], [0], [1], [0, 0, 1, 1], [], []>, transpose_lhs_hint = false} : vector<2048x128xf32>, vector<128x128xf32>, vector<2048x128xf32> -> vector<2048x128xf32>
      %add3A_289 = arith.addf %dot_general3A_288, %mul3A_286 : vector<2048x128xf32>
      %ge3A = arith.constant 0.000000e+00 : f32
      %ge3A_290 = vector.broadcast %ge3A : f32 to vector<2048x128xf32>
      %ge3A_291 = arith.cmpf oge, %add3A_289, %ge3A_290 : vector<2048x128xf32>
      %mul3A_292 = arith.constant 2.000000e-01 : f32
      %mul3A_293 = vector.broadcast %mul3A_292 : f32 to vector<2048x128xf32>
      %mul3A_294 = arith.mulf %mul3A_293, %add3A_289 : vector<2048x128xf32>
      %select_n3A_295 = arith.select %ge3A_291, %add3A_289, %mul3A_294 : vector<2048x128xi1>, vector<2048x128xf32>
      %get3A_296 = arith.constant 0 : index
      %get3A_297 = arith.constant 0 : index
      %get3A_298 = vector.load %arg14[%get3A_296, %get3A_297] : memref<1x128xf32, #tpu.memory_space<vmem>>, vector<1x128xf32>
      %mul3A_299 = vector.broadcast %get3A_298 : vector<1x128xf32> to vector<2048x128xf32>
      %mul3A_300 = arith.mulf %select_n3A_295, %mul3A_299 : vector<2048x128xf32>
      %get3A_301 = arith.constant 0 : index
      %get3A_302 = arith.constant 0 : index
      %get3A_303 = vector.load %arg15[%get3A_301, %get3A_302] : memref<128x8xf32, #tpu.memory_space<vmem>>, vector<128x8xf32>
      %dot_general3A_304 = arith.constant dense<0.000000e+00> : vector<2048x8xf32>
      %dot_general3A_305 = tpu.matmul %mul3A_300, %get3A_303, %dot_general3A_304 {dimension_numbers = #tpu.dot_dimension_numbers<[1], [0], [0], [1], [0, 0, 1, 1], [], []>, transpose_lhs_hint = false} : vector<2048x128xf32>, vector<128x8xf32>, vector<2048x8xf32> -> vector<2048x8xf32>
      %jit3A_306 = arith.constant -8.000000e+01 : f32
      %jit3A_307 = arith.constant 8.000000e+01 : f32
      %max3A = vector.broadcast %jit3A_306 : f32 to vector<2048x8xf32>
      %max3A_308 = arith.maximumf %max3A, %dot_general3A_305 : vector<2048x8xf32>
      %min3A = vector.broadcast %jit3A_307 : f32 to vector<2048x8xf32>
      %min3A_309 = arith.minimumf %min3A, %max3A_308 : vector<2048x8xf32>
      %exp3A = math.exp %min3A_309 : vector<2048x8xf32>
      %get3A_310 = arith.constant 0 : index
      %get3A_311 = arith.constant 0 : index
      %get3A_312 = vector.load %arg16[%get3A_310, %get3A_311] : memref<8x128xf32, #tpu.memory_space<vmem>>, vector<8x128xf32>
      %dot_general3A_313 = arith.constant dense<0.000000e+00> : vector<2048x128xf32>
      %dot_general3A_314 = tpu.matmul %exp3A, %get3A_312, %dot_general3A_313 {dimension_numbers = #tpu.dot_dimension_numbers<[1], [0], [0], [1], [0, 0, 1, 1], [], []>, transpose_lhs_hint = false} : vector<2048x8xf32>, vector<8x128xf32>, vector<2048x128xf32> -> vector<2048x128xf32>
      %mul3A_315 = arith.mulf %dot_general3A_314, %mul3A_286 : vector<2048x128xf32>
      %dot_general3A_316 = arith.constant dense<0.000000e+00> : vector<128x128xf32>
      %dot_general3A_317 = tpu.matmul %convert_element_type3A_146, %mul3A_315, %dot_general3A_316 {dimension_numbers = #tpu.dot_dimension_numbers<[0], [0], [1], [1], [0, 1, 1, 1], [], []>, transpose_lhs_hint = false} : vector<2048x128xf32>, vector<2048x128xf32>, vector<128x128xf32> -> vector<128x128xf32>
      %add3A_318 = arith.addf %while3A_106, %dot_general3A_317 : vector<128x128xf32>
      %dot_general3A_319 = arith.constant dense<0.000000e+00> : vector<128x8xf32>
      %dot_general3A_320 = tpu.matmul %convert_element_type3A_146, %exp3A, %dot_general3A_319 {dimension_numbers = #tpu.dot_dimension_numbers<[0], [0], [1], [1], [0, 1, 1, 1], [], []>, transpose_lhs_hint = false} : vector<2048x128xf32>, vector<2048x8xf32>, vector<128x8xf32> -> vector<128x8xf32>
      %add3A_321 = arith.addf %while3A_107, %dot_general3A_320 : vector<128x8xf32>
      scf.yield %add3A_318, %add3A_321 : vector<128x128xf32>, vector<128x8xf32>
    }
    %get3A_80 = arith.constant 0 : index
    %get3A_81 = arith.constant 0 : index
    %get3A_82 = vector.load %arg16[%get3A_80, %get3A_81] : memref<8x128xf32, #tpu.memory_space<vmem>>, vector<8x128xf32>
    %dot_general3A_83 = arith.constant dense<0.000000e+00> : vector<128x128xf32>
    %dot_general3A_84 = tpu.matmul %while3A_79#1, %get3A_82, %dot_general3A_83 {dimension_numbers = #tpu.dot_dimension_numbers<[1], [0], [0], [1], [0, 0, 1, 1], [], []>, transpose_lhs_hint = false} : vector<128x8xf32>, vector<8x128xf32>, vector<128x128xf32> -> vector<128x128xf32>
    %add3A_85 = arith.constant 9.99999971E-10 : f32
    %add3A_86 = vector.broadcast %add3A_85 : f32 to vector<128x128xf32>
    %add3A_87 = arith.addf %dot_general3A_84, %add3A_86 : vector<128x128xf32>
    %div3A_88 = arith.divf %while3A_79#0, %add3A_87 : vector<128x128xf32>
    %get3A_89 = arith.constant 0 : index
    %get3A_90 = arith.constant 0 : index
    %get3A_91 = vector.load %arg17[%get3A_89, %get3A_90] : memref<128x128xf32, #tpu.memory_space<vmem>>, vector<128x128xf32>
    %dot_general3A_92 = arith.constant dense<0.000000e+00> : vector<128x128xf32>
    %dot_general3A_93 = tpu.matmul %div3A_88, %get3A_91, %dot_general3A_92 {dimension_numbers = #tpu.dot_dimension_numbers<[1], [0], [0], [1], [0, 0, 1, 1], [], []>, transpose_lhs_hint = false} : vector<128x128xf32>, vector<128x128xf32>, vector<128x128xf32> -> vector<128x128xf32>
    %get3A_94 = arith.constant 0 : index
    %get3A_95 = arith.constant 0 : index
    %get3A_96 = vector.load %arg18[%get3A_94, %get3A_95] : memref<1x128xf32, #tpu.memory_space<vmem>>, vector<1x128xf32>
    %add3A_97 = vector.broadcast %get3A_96 : vector<1x128xf32> to vector<128x128xf32>
    %add3A_98 = arith.addf %dot_general3A_93, %add3A_97 : vector<128x128xf32>
    %get3A_99 = arith.constant 0 : index
    %get3A_100 = arith.constant 0 : index
    %get3A_101 = vector.load %arg4[%get3A_99, %get3A_100] : memref<128x128xf32, #tpu.memory_space<vmem>>, vector<128x128xf32>
    %add3A_102 = arith.addf %add3A_98, %get3A_101 : vector<128x128xf32>
    %swap3A = arith.constant 0 : index
    %swap3A_103 = arith.constant 0 : index
    %swap3A_104 = vector.load %arg23[%swap3A, %swap3A_103] : memref<128x128xf32, #tpu.memory_space<vmem>>, vector<128x128xf32>
    tpu.vector_store %arg23[%swap3A, %swap3A_103], %add3A_102 {strides = array<i32>} : memref<128x128xf32, #tpu.memory_space<vmem>>, vector<128x128xf32>,
    return
  }
  func.func @transform_2(%arg0: i32, %arg1: memref<80xi32, #tpu.memory_space<smem>>) -> (i32, i32) {
    %c0_i32 = arith.constant 0 : i32
    %c0_i32_0 = arith.constant 0 : i32
    return %arg0, %c0_i32 : i32, i32
  }
  func.func @transform_3(%arg0: i32, %arg1: memref<80xi32, #tpu.memory_space<smem>>) -> (i32, i32) {
    %c0_i32 = arith.constant 0 : i32
    %c0_i32_0 = arith.constant 0 : i32
    return %arg0, %c0_i32 : i32, i32
  }
  func.func @transform_4(%arg0: i32, %arg1: memref<80xi32, #tpu.memory_space<smem>>) -> (i32, i32) {
    %c0_i32 = arith.constant 0 : i32
    %c0_i32_0 = arith.constant 0 : i32
    return %arg0, %c0_i32 : i32, i32
  }
  func.func @transform_5(%arg0: i32, %arg1: memref<80xi32, #tpu.memory_space<smem>>) -> (i32, i32) {
    %c0_i32 = arith.constant 0 : i32
    %c0_i32_0 = arith.constant 0 : i32
    %c0_i32_1 = arith.constant 0 : i32
    return %c0_i32, %c0_i32_0 : i32, i32
  }
  func.func @transform_6(%arg0: i32, %arg1: memref<80xi32, #tpu.memory_space<smem>>) -> (i32, i32) {
    %c0_i32 = arith.constant 0 : i32
    %c0_i32_0 = arith.constant 0 : i32
    %c0_i32_1 = arith.constant 0 : i32
    return %c0_i32, %c0_i32_0 : i32, i32
  }
  func.func @transform_7(%arg0: i32, %arg1: memref<80xi32, #tpu.memory_space<smem>>) -> (i32, i32) {
    %c0_i32 = arith.constant 0 : i32
    %c0_i32_0 = arith.constant 0 : i32
    %c0_i32_1 = arith.constant 0 : i32
    return %c0_i32, %c0_i32_0 : i32, i32
  }
  func.func @transform_8(%arg0: i32, %arg1: memref<80xi32, #tpu.memory_space<smem>>) -> (i32, i32) {
    %c0_i32 = arith.constant 0 : i32
    %c0_i32_0 = arith.constant 0 : i32
    %c0_i32_1 = arith.constant 0 : i32
    return %c0_i32, %c0_i32_0 : i32, i32
  }
  func.func @transform_9(%arg0: i32, %arg1: memref<80xi32, #tpu.memory_space<smem>>) -> (i32, i32) {
    %c0_i32 = arith.constant 0 : i32
    %c0_i32_0 = arith.constant 0 : i32
    %c0_i32_1 = arith.constant 0 : i32
    return %c0_i32, %c0_i32_0 : i32, i32
  }
  func.func @transform_10(%arg0: i32, %arg1: memref<80xi32, #tpu.memory_space<smem>>) -> (i32, i32) {
    %c0_i32 = arith.constant 0 : i32
    %c0_i32_0 = arith.constant 0 : i32
    %c0_i32_1 = arith.constant 0 : i32
    return %c0_i32, %c0_i32_0 : i32, i32
  }
  func.func @transform_11(%arg0: i32, %arg1: memref<80xi32, #tpu.memory_space<smem>>) -> (i32, i32) {
    %c0_i32 = arith.constant 0 : i32
    %c0_i32_0 = arith.constant 0 : i32
    %c0_i32_1 = arith.constant 0 : i32
    return %c0_i32, %c0_i32_0 : i32, i32
  }
  func.func @transform_12(%arg0: i32, %arg1: memref<80xi32, #tpu.memory_space<smem>>) -> (i32, i32) {
    %c0_i32 = arith.constant 0 : i32
    %c0_i32_0 = arith.constant 0 : i32
    %c0_i32_1 = arith.constant 0 : i32
    return %c0_i32, %c0_i32_0 : i32, i32
  }
  func.func @transform_13(%arg0: i32, %arg1: memref<80xi32, #tpu.memory_space<smem>>) -> (i32, i32) {
    %c0_i32 = arith.constant 0 : i32
    %c0_i32_0 = arith.constant 0 : i32
    %c0_i32_1 = arith.constant 0 : i32
    return %c0_i32, %c0_i32_0 : i32, i32
  }
  func.func @transform_14(%arg0: i32, %arg1: memref<80xi32, #tpu.memory_space<smem>>) -> (i32, i32) {
    %c0_i32 = arith.constant 0 : i32
    %c0_i32_0 = arith.constant 0 : i32
    %c0_i32_1 = arith.constant 0 : i32
    return %c0_i32, %c0_i32_0 : i32, i32
  }
  func.func @transform_15(%arg0: i32, %arg1: memref<80xi32, #tpu.memory_space<smem>>) -> (i32, i32) {
    %c0_i32 = arith.constant 0 : i32
    %c0_i32_0 = arith.constant 0 : i32
    %c0_i32_1 = arith.constant 0 : i32
    return %c0_i32, %c0_i32_0 : i32, i32
  }
  func.func @transform_16(%arg0: i32, %arg1: memref<80xi32, #tpu.memory_space<smem>>) -> (i32, i32) {
    %c0_i32 = arith.constant 0 : i32
    %c0_i32_0 = arith.constant 0 : i32
    %c0_i32_1 = arith.constant 0 : i32
    return %c0_i32, %c0_i32_0 : i32, i32
  }
  func.func @transform_17(%arg0: i32, %arg1: memref<80xi32, #tpu.memory_space<smem>>) -> (i32, i32) {
    %c0_i32 = arith.constant 0 : i32
    %c0_i32_0 = arith.constant 0 : i32
    %c0_i32_1 = arith.constant 0 : i32
    return %c0_i32, %c0_i32_0 : i32, i32
  }
  func.func @transform_18(%arg0: i32, %arg1: memref<80xi32, #tpu.memory_space<smem>>) -> (i32, i32) {
    %c0_i32 = arith.constant 0 : i32
    %c0_i32_0 = arith.constant 0 : i32
    %c0_i32_1 = arith.constant 0 : i32
    return %c0_i32, %c0_i32_0 : i32, i32
  }
  func.func @transform_19(%arg0: i32, %arg1: memref<80xi32, #tpu.memory_space<smem>>) -> (i32, i32) {
    %c0_i32 = arith.constant 0 : i32
    %c0_i32_0 = arith.constant 0 : i32
    %c0_i32_1 = arith.constant 0 : i32
    return %c0_i32, %c0_i32_0 : i32, i32
  }
  func.func @transform_20(%arg0: i32, %arg1: memref<80xi32, #tpu.memory_space<smem>>) -> (i32, i32) {
    %c0_i32 = arith.constant 0 : i32
    %c0_i32_0 = arith.constant 0 : i32
    %c0_i32_1 = arith.constant 0 : i32
    return %c0_i32, %c0_i32_0 : i32, i32
  }
  func.func @transform_21(%arg0: i32, %arg1: memref<80xi32, #tpu.memory_space<smem>>) -> (i32, i32) {
    %c0_i32 = arith.constant 0 : i32
    %c0_i32_0 = arith.constant 0 : i32
    return %arg0, %c0_i32 : i32, i32
  }
}

</mosaic_0001>

<sc_bundles>
// kernel: kernel.5.cloned.1.call-start
scs
__scs_entry_jumppad:
0x0: {  	(pc) =	sbr.rel $0x88, $3  }
0x1: {  	(tag) =	ssettag $0x0;
	lr =	simm.s32 $0x1  }
0x2: {  	[smem:$0x3F90] =	sst lr;
	_ =	strace $0xD0000000  }
0x3: {  	_ = 	snop  }
0x4: {  	_ = 	snop  }
0x5: {  	_ = 	snop  }
0x6: {  	_ = 	snop  }
0x7: {  	_ = 	snop  }
__scs_overlays_trampoline_lowered:
0x8: {  	[smem:$0x3F9F] =	sst s0  }
0x9: {  	[smem:$0x3FA0] =	sst s1  }
0xa: {  	[smem:$0x3FA1] =	sst s2  }
0xb: {  	[smem:$0x3FA2] =	sst s3  }
0xc: {  	[smem:$0x3FA3] =	sst s4  }
0xd: {  	[smem:$0x3FA4] =	sst s5  }
0xe: {  	[smem:$0x3FA5] =	sst s6  }
0xf: {  	[smem:$0x3FA6] =	sst s7  }
0x10: {  	[smem:$0x3FA7] =	sst s8  }
0x11: {  	[smem:$0x3FA8] =	sst s9;
	s0 =	simm.s32 @!p0 $0x0  }
0x12: {  	s1 =	sld [smem:$0x3F8E];
	s0 =	simm.s32 @p0 $0x1  }
0x13: {  	[smem:$0x3FA9] =	sst s0;
	s0 =	simm.s32 @!p1 $0x0  }
0x14: {  	s2 =	sld [smem:$0x3F8D];
	s0 =	simm.s32 @p1 $0x1  }
0x15: {  	[smem:$0x3FAA] =	sst s0;
	s0 =	simm.s32 @!p2 $0x0  }
0x16: {  	s3 =	sld [smem:$0x3FDB];
	s0 =	simm.s32 @p2 $0x1  }
0x17: {  	s4 =	simm.s32 $0x1BF5;
	[smem:$0x3FAC] =	sst s0  }
0x18: {  	s0 =	sld [smem:$0x3F8F];
	_ =	swait.ge [sflag:s4], $0x0  }
0x19: {  	s7 =	sld [smem:$0x3F90]  }
0x1a: {  	s8 =	sadd.s32 $0xFFFFE003, lr  }
0x1b: {  	s9 =	sadd.s32 $0xFFFFFEF7, lr;
	s5 =	simm.s32 $0xFFFFFFFF;
	p2 =	slt.u32 s8, $0xFFFFF086  }
0x1c: {  	p1 =	slt.u32 s9, $0xF7A;
	s5 =	simm.s32 @!p2 $0x0  }
0x1d: {  	s5 =	simm.s32 @p1 $0x1;
	p0 =	seq.s32 s7, s2  }
0x1e: {  	s7 =	smul.u32 @!p0 $0xF7A, s2;
	p2 =	seq.s32 @!p0 s5, $0x0  }
0x1f: {  	s9 =	smul.u32 $0xF7A, s1;
	s8 =	simm.s32 @!p0 $0x1BF5;
	p2 =	por !p2, p0  }
0x20: {  	[sflag:s8] =	ssyncset.s32 @!p0 $0xFFFFF086;
	s6 =	sadd.s32 @!p0 s3, s7;
	s7 =	simm.s32 @!p0 $0x108  }
0x21: {  	s3 =	sadd.s32 s3, s9;
	s6 =	sadd.s32 @!p0 $0x88, s6;
	s7 =	simm.s32 @p2 $0x1082  }
0x22: {  	[simem:s7], [sflag:s8] =	dma.local @!p0 [hbm:s6], $0xF7A  }
0x23: {  	s9 =	sor.u32 $0xD0000000, s2;
	s6 =	simm.s32 $0x108;
	_ =	swait.ge @!p0 [sflag:s8], $0x0  }
0x24: {  	s3 =	sadd.s32 $0x88, s3;
	s6 =	simm.s32 @!p1 $0x1082;
	[sflag:s4] =	ssyncset.s32 $0xFFFFF086  }
0x25: {  	[simem:s6], [sflag:s4] =	dma.local [hbm:s3], $0xF7A  }
0x26: {  	[smem:$0x3F90] =	sst s1;
	(tag) =	ssettag s2;
	_ =	strace s9  }
0x27: {  	s1 =	sld [smem:$0x3FA0]  }
0x28: {  	s2 =	sld [smem:$0x3FA1]  }
0x29: {  	s4 =	sld [smem:$0x3FA3]  }
0x2a: {  	p0 =	seq.s32 s5, $0x0;
	s5 =	sld [smem:$0x3FA4]  }
0x2b: {  	s6 =	sld [smem:$0x3FA5]  }
0x2c: {  	s7 =	sld [smem:$0x3FA6]  }
0x2d: {  	s3 =	simm.s32 $0x108;
	s8 =	sld [smem:$0x3FA7]  }
0x2e: {  	s3 =	simm.s32 @!p0 $0x1082;
	s9 =	sld [smem:$0x3FA8]  }
0x2f: {  	lr =	sadd.s32 s0, s3;
	s0 =	sld [smem:$0x3F9F]  }
0x30: {  	s3 =	sld [smem:$0x3FA2]  }
0x31: {  	[smem:$0x3FAB] =	sst s10  }
0x32: {  	s10 =	sld [smem:$0x3FA9];
	_ =	sdelay $0x3  }
0x33: {  	p0 =	seq.s32 s10, $0x1;
	s10 =	sld [smem:$0x3FAB];
	_ =	sdelay $0x3  }
0x34: {  	[smem:$0x3FAB] =	sst s10  }
0x35: {  	s10 =	sld [smem:$0x3FAA];
	_ =	sdelay $0x3  }
0x36: {  	p1 =	seq.s32 s10, $0x1;
	s10 =	sld [smem:$0x3FAB];
	_ =	sdelay $0x3  }
0x37: {  	[smem:$0x3FAB] =	sst s10  }
0x38: {  	s10 =	sld [smem:$0x3FAC]  }
0x39: {  	_ = 	snop;
	(pc) =	sbr.ind lr, $3  }
0x3a: {  	_ = 	snop  }
0x3b: {  	_ = 	snop  }
0x3c: {  	p2 =	seq.s32 s10, $0x1;
	s10 =	sld [smem:$0x3FAB]  }
0x3d: {  	_ =	shalt  }
0x3e: {  	_ =	shalt  }
0x3f: {  	_ =	shalt  }
0x40: {  	_ =	shalt  }
0x41: {  	_ =	shalt  }
0x42: {  	_ =	shalt  }
0x43: {  	_ =	shalt  }
0x44: {  	_ =	shalt  }
0x45: {  	_ =	shalt  }
0x46: {  	_ =	shalt  }
0x47: {  	_ =	shalt  }
0x48: {  	_ =	shalt  }
0x49: {  	_ =	shalt  }
0x4a: {  	_ =	shalt  }
0x4b: {  	_ =	shalt  }
0x4c: {  	_ =	shalt  }
0x4d: {  	_ =	shalt  }
0x4e: {  	_ =	shalt  }
0x4f: {  	_ =	shalt  }
0x50: {  	_ =	shalt  }
0x51: {  	_ =	shalt  }
0x52: {  	_ =	shalt  }
0x53: {  	_ =	shalt  }
0x54: {  	_ =	shalt  }
0x55: {  	_ =	shalt  }
0x56: {  	_ =	shalt  }
0x57: {  	_ =	shalt  }
0x58: {  	_ =	shalt  }
0x59: {  	_ =	shalt  }
0x5a: {  	_ =	shalt  }
0x5b: {  	_ =	shalt  }
0x5c: {  	_ =	shalt  }
0x5d: {  	_ =	shalt  }
0x5e: {  	_ =	shalt  }
0x5f: {  	_ =	shalt  }
0x60: {  	_ =	shalt  }
0x61: {  	_ =	shalt  }
0x62: {  	_ =	shalt  }
0x63: {  	_ =	shalt  }
0x64: {  	_ =	shalt  }
0x65: {  	_ =	shalt  }
0x66: {  	_ =	shalt  }
0x67: {  	_ =	shalt  }
0x68: {  	_ =	shalt  }
0x69: {  	_ =	shalt  }
0x6a: {  	_ =	shalt  }
0x6b: {  	_ =	shalt  }
0x6c: {  	_ =	shalt  }
0x6d: {  	_ =	shalt  }
0x6e: {  	_ =	shalt  }
0x6f: {  	_ =	shalt  }
0x70: {  	_ =	shalt  }
0x71: {  	_ =	shalt  }
0x72: {  	_ =	shalt  }
0x73: {  	_ =	shalt  }
0x74: {  	_ =	shalt  }
0x75: {  	_ =	shalt  }
0x76: {  	_ =	shalt  }
0x77: {  	_ =	shalt  }
0x78: {  	_ =	shalt  }
0x79: {  	_ =	shalt  }
0x7a: {  	_ =	shalt  }
0x7b: {  	_ =	shalt  }
0x7c: {  	_ =	shalt  }
0x7d: {  	_ =	shalt  }
0x7e: {  	_ =	shalt  }
0x7f: {  	_ =	shalt  }
0x80: {  	_ =	shalt  }
0x81: {  	_ =	shalt  }
0x82: {  	_ =	shalt  }
0x83: {  	_ =	shalt  }
0x84: {  	_ =	shalt  }
0x85: {  	_ =	shalt  }
0x86: {  	_ =	shalt  }
0x87: {  	_ =	shalt  }
.Lfunc_end0:
.L_simem_size_0:
called_computation_lowered:
.L_overlay_start_0:
0x88: {  	s2 =	sld [smem:$0x3FD9]  }
0x89: {  	s3 =	sld [smem:$0x3FFE];
	_ =	sdelay $0x1  }
0x8a: {  	s1 =	srdreg.scid  }
0x8b: {  	s0 =	sand.u32 $0x1, s1  }
0x8c: {  	s17 =	sshll.u32 s0, $0xA;
	s2 =	sadd.s32 s3, s2  }
0x8d: {  	s2 =	sadd.s32 s2, s17  }
0x8e: {  	[smem:$0x3FB7] =	sst s2  }
0x8f: {  	_ = 	snop  }
0x90: {  	s2 =	sld [smem:$0x3FD0];
	(tm) =	ssettm $0x1  }
0x91: {  	s18 =	sld [smem:$0x3FFB];
	_ =	sdelay $0x3  }
0x92: {  	_ =	strace s18  }
0x93: {  	s3 =	sld [smem:$0x3FFC];
	_ =	sdelay $0x3  }
0x94: {  	_ =	strace s3  }
0x95: {  	s3 =	sld [smem:$0x3FFD];
	_ =	sdelay $0x3  }
0x96: {  	_ =	strace s3  }
0x97: {  	_ =	strace $0x8FFFFFFF  }
0x98: {  	s19 =	sld [smem:$0x3FDB];
	_ =	sdelay $0x1  }
0x99: {  	s4 =	simm.s32 $_scs_section_size  }
0x9a: {  	s5 =	simm.s32 $_size__tile_overlayer_lowered;
	s6 =	simm.s32 $_tile_overlayer_lowered  }
0x9b: {  	s22 =	simm.s32 $0x1BFF;
	s21 =	sshll.u32 s6, $0x1;
	s3 =	sadd.s32 s4, s19  }
0x9c: {  	s7 =	simm.s32 $0x0;
	s20 =	sshll.u32 s5, $0x1;
	s5 =	sadd.s32 s21, s3  }
0x9d: {  	[timem:s7], [sflag:s22] =	dma.local [hbm:s5], s20  }
0x9e: {  	_ =	swait.ge [sflag:s22], s20  }
0x9f: {  	s4 =	ssub.s32 $0x0, s20;
	[sflag:s22] =	ssyncset.done $0x0  }
0xa0: {  	[sflag:s22] =	ssyncadd.s32 s4;
	_ =	sdelay $0x1  }
0xa1: {  	s23 =	simm.s32 $0x1B8B  }
0xa2: {  	_ =	swait.ge [sflag:s23], $0x1  }
0xa3: {  	[sflag:s23] =	ssyncset.done $0x0  }
0xa4: {  	s25 =	simm.s32 $0x1B8E;
	s24 =	sld [smem:$0x3FFE];
	[sflag:s23] =	ssyncadd.s32 $0xFFFFFFFF  }
0xa5: {  	s26 =	simm.s32 $execute0_lowered;
	[smem:$0x3FD2] =	sst s25  }
0xa6: {  	s5 =	sshll.u32 s26, $0x1;
	_ =	strace $0x80000046;
	[dreg:$0x1] =	wrdreg $0xFFFFFFFF  }
0xa7: {  	s28 =	simm.s32 $_size_execute0_lowered;
	s3 =	sadd.s32 s3, s5;
	[dreg:$0x0] =	wrdreg $0x0  }
0xa8: {  	s5 =	sshll.u32 s28, $0x1;
	[dreg:$0x2] =	wrdreg s3  }
0xa9: {  	[dreg:$0x3] =	wrdreg s5  }
0xaa: {  	[dreg:$0x4] =	wrdreg $0xC0  }
0xab: {  	_ =	task [dreg:s7], $0x5FFFF  }
0xac: {  	[dreg:$0x1] =	wrdreg $0xFFFFFFFF  }
0xad: {  	[dreg:$0x0] =	wrdreg $0x60  }
0xae: {  	[dreg:$0x2] =	wrdreg s24  }
0xaf: {  	[dreg:$0x3] =	wrdreg s2  }
0xb0: {  	[dreg:$0x4] =	wrdreg $0x9  }
0xb1: {  	_ =	task.clear_ibuf [dreg:s7], $0x5FFFF;
	_ =	strace $0x90000046  }
0xb2: {  	s29 =	simm.s32 $0x9;
	_ =	strace $0x8000004F  }
0xb3: {  	_ =	swait.ge [sflag:s29], $0x1  }
0xb4: {  	[sflag:s29] =	ssyncadd.s32 $0xFFFFFFFF  }
0xb5: {  	_ =	strace $0x9000004F  }
0xb6: {  	_ =	sfence  }
0xb7: {  	s30 =	sld [smem:$0x0];
	_ =	sdelay $0x2  }
0xb8: {  	s31 =	sshll.u32 s1, $0xD;
	s1 =	sshrl.u32 s1, $0x2  }
0xb9: {  	s3 =	sand.u32 $0x4000, s31;
	s1 =	sadd.s32 s1, s30  }
0xba: {  	s0 =	sor.u32 s3, s0;
	s1 =	sshll.u32 s1, $0x11  }
0xbb: {  	s0 =	sor.u32 s1, s0  }
0xbc: {  	s0 =	sadd.s32 $0x8F2B, s0  }
0xbd: {  	[sflag:s0] =	ssyncadd.remote.s32 $0x1  }
0xbe: {  	_ =	sfence.sel $0xFFFF  }
0xbf: {  	[dreg:$0x0] =	wrdreg $0xFFFFFFFF;
	(pc) =	sbr.abs _section_cstart, $3  }
0xc0: {  	[dreg:$0x1] =	wrdreg $0xFFFFFFFF  }
0xc1: {  	_ =	task.clear_ibuf [dreg:s7], $0x2FFFF;
	_ =	strace $0x9FFFFFFF  }
0xc2: {  	(tm) =	ssettm $0x7FFFFFFF  }
0xc3: {  	_ =	shalt  }
tec
execute0_lowered:
.L_overlay_start_1:
0x0: {  	(tag) =	ssettag $0x1  }
0x1: {  	s4 =	rddreg [dreg:$0x0]  }
0x2: {  	s1 =	rddreg [dreg:$0x1]  }
0x3: {  	s0 =	rddreg [dreg:$0x2];
	s2 =	simm.s32 $0x0  }
0x4: {  	s3 =	srdreg.scid;
	s31 =	simm.s32 $0x80;
	s9 =	simm.s32 $0x3  }
0x5: {  	s10 =	simm.s32 $0x0;
	[smem:$0x7FF] =	sst s2;
	s5 =	sand.u32 $0x1, s3  }
0x6: {  	s6 =	sadd.s32 $0x4800, s4;
	s3 =	stileid.u32;
	s4 =	sadd.s32 $0x18B200, s4  }
0x7: {  	_ =	strace $0x80000047;
	s7 =	sshll.u32 s5, $0x4;
	s5 =	ssub.s32 $0x2, s5  }
0x8: {  	[dreg:$0x3] =	wrdreg s6;
	s29 =	sor.u32 s3, s7;
	s30 =	sshrl.u32 s5, $0x1  }
0x9: {  	[dreg:$0x5] =	wrdreg s4;
	s8 =	smul.u32 $0x4F0, s29;
	s7 =	ssub.s32 s5, s30  }
0xa: {  	[dreg:$0x4] =	wrdreg s31;
	s4 =	smul.u32 $0x4F, s29;
	s6 =	smax.u32 s7, $0x1  }
0xb: {  	s7 =	simm.s32 $0x1;
	s5 =	sadd.s32 s1, s8;
	s8 =	simm.s32 $0x5  }
.LBB2_1:
0xc: {  	_ =	strace $0x80000048;
	s11 =	simm.s32 $0x1;
	p0 =	por $0x0, $0x0  }
0xd: {  	[tilespmem:s2], [sflag:$0x1] =	stream.linear.gather [hbm4b:s5+s2], $0x80, $0x200038;
	[tilespmem:$0x8100] =	vst v63  }
0xe: {  	s11 =	simm.s32 @p0 $0x0  }
0xf: {  	p4 =	por $0x1, $0x1;
	s20 =	sand.u32 $0x1, s2;
	p1 =	sne.s32 s11, $0x0  }
0x10: {  	p2 =	por $0x1, $0x1;
	s18 =	simm.s32 $0x4D;
	p0 =	por !p4, !p1  }
0x11: {  	s16 =	simm.s32 $0x0;
	p5 =	por $0x0, $0x0;
	p0 =	por !p0, !p0  }
0x12: {  	s23 =	sadd.s32 $0x0, s4;
	s30 =	sadd.s32 $0x1, s20;
	s12 =	sadd.s32 @p0 s4, s11  }
0x13: {  	_ =	strace $0x90000048;
	s13 =	sand.u32 @p0 $0x1, s7;
	s12 =	sshll.u32 @p0 s12, $0x4  }
0x14: {  	_ =	strace @p0 $0x80000049;
	s15 =	simm.s32 @p0 $0x0;
	s12 =	sand.u32 @p0 $0x1FFFFFF0, s12  }
0x15: {  	s14 =	sshll.u32 @p0 s13, $0x7;
	s13 =	sadd.s32 @p0 $0x1, s13;
	s12 =	sadd.s32 @p0 s1, s12  }
0x16: {  	[tilespmem:s14], [sflag:s13] =	stream.linear.gather @p0 [hbm4b:s12+s15], $0x80, $0x200038;
	[tilespmem:$0x8100] =	vst v63  }
0x17: {  	p3 =	por p2, p2;
	s21 =	sshll.u32 s20, $0xE;
	_ =	strace @p0 $0x90000049  }
0x18: {  	s16 =	sand.u32 $0x80, s16;
	p2 =	por p5, p5;
	_ =	strace $0x8000004A  }
0x19: {  	s17 =	sadd.s32 $0x1, s11;
	s22 =	sor.u32 $0x100, s21;
	_ =	swait.ge [sflag:s30], $0x80  }
0x1a: {  	s21 =	simm.s32 $0x1;
	p6 =	por p1, p1;
	[sflag:s30] =	ssyncset.done $0x0  }
0x1b: {  	p1 =	por p3, p3;
	p4 =	por $0x1, $0x1;
	[sflag:s30] =	ssyncadd.s32 $0xFFFFFF80  }
0x1c: {  	s12 =	simm.s32 $0x4E;
	s15 =	sand.u32 @!p3 $0x1, s2;
	_ =	strace $0x9000004A  }
0x1d: {  	s13 =	simm.s32 $0x1;
	p3 =	seq.s32 s17, $0x4F;
	_ =	strace $0x8000004B  }
0x1e: {  	s13 =	simm.s32 @!p0 $0x0;
	s17 =	simm.s32 @p3 $0x0;
	s19 =	rddreg [dreg:$0x4]  }
0x1f: {  	p0 =	por $0x0, $0x0;
	s14 =	sadd.s32 $0x1, s13;
	s31 =	rddreg [dreg:$0x3]  }
0x20: {  	[tilespmem:s22], [sflag:$0x5] =	stream.indirect.gather [hbm4b:s31+s19], $0x80, s16, s19, $0x2000b8;
	[tilespmem:$0x8100] =	vst v63  }
0x21: {  	p3 =	sne.s32 s11, s17;
	s21 =	simm.s32 @!p0 $0x0;
	_ =	swait.ge [sflag:s8], $0x4000  }
0x22: {  	p5 =	por !p4, !p3;
	p4 =	por $0x0, $0x0;
	[sflag:s8] =	ssyncset.done $0x0  }
0x23: {  	s13 =	simm.s32 $0x0;
	p6 =	por p4, p6;
	[sflag:s8] =	ssyncadd.s32 $0xFFFFC000  }
0x24: {  	s16 =	simm.s32 $0x0;
	s19 =	simm.s32 $0x0;
	_ =	strace $0x9000004B  }
.LBB2_2:
0x25: {  	_ =	strace @p6 $0x8000004C;
	s13 =	sadd.s32 s21, s13;
	s21 =	smov.u32 s12  }
0x26: {  	s12 =	smov.u32 s18;
	s18 =	sadd.s32 $0xFFFFFFFF, s18;
	p0 =	por p3, p3  }
0x27: {  	s28 =	sshll.u32 @p6 s23, $0xB;
	s20 =	sadd.s32 @p6 $0x3, s20;
	s24 =	simm.s32 @!p0 $0x0  }
0x28: {  	s25 =	rddreg [dreg:$0x5];
	s28 =	sand.u32 @p6 $0x1FFFF800, s28;
	s24 =	simm.s32 @p0 $0x1  }
0x29: {  	s25 =	sadd.s32 @p6 s25, s28;
	s28 =	simm.s32 @p6 $0x0;
	p0 =	sne.s32 s18, $0x0  }
0x2a: {  	[hbm4b:s25+s28] =	stream.linear.scatter @p6 [tilespmem:s22], [sflag:s20], $0x4000, $0x200038;
	[tilespmem:$0x8100] =	vst v63  }
0x2b: {  	s20 =	sadd.s32 @!p1 $0x3, s15;
	s15 =	simm.s32 @!p0 $0x0  }
0x2c: {  	s26 =	simm.s32 $0x1;
	[smem:$0x7FC] =	sst s24;
	s15 =	simm.s32 @p0 $0x1  }
0x2d: {  	s26 =	simm.s32 @!p6 $0x0;
	_ =	strace @p6 $0x9000004C;
	[smem:$0x7FD] =	sst s15  }
0x2e: {  	p5 =	por !p5, !p5;
	s19 =	sadd.s32 s26, s19;
	_ =	strace @!p1 $0x8000004D  }
0x2f: {  	s24 =	sand.u32 @!p2 $0x1, s13;
	s22 =	sand.u32 @p5 $0x1, s14;
	_ =	swait.ge @!p1 [sflag:s20], $0x4000  }
0x30: {  	s15 =	smov.u32 s24;
	s24 =	sadd.s32 @p5 s4, s17;
	[sflag:s20] =	ssyncset.done @!p1 $0x0  }
0x31: {  	s25 =	sshll.u32 @p5 s22, $0x7;
	s24 =	sshll.u32 @p5 s24, $0x4;
	[sflag:s20] =	ssyncadd.s32 @!p1 $0xFFFFC000  }
0x32: {  	s20 =	sadd.s32 @p5 $0x1, s22;
	s22 =	sand.u32 @p5 $0x1FFFFFF0, s24;
	_ =	strace @!p1 $0x9000004D  }
0x33: {  	s24 =	simm.s32 @p5 $0x0;
	s22 =	sadd.s32 @p5 s1, s22;
	_ =	strace @p5 $0x80000049  }
0x34: {  	[tilespmem:s25], [sflag:s20] =	stream.linear.gather @p5 [hbm4b:s22+s24], $0x80, $0x200038;
	[tilespmem:$0x8100] =	vst v63  }
0x35: {  	s16 =	sadd.s32 s26, s16;
	s26 =	sand.u32 $0x1, s19;
	_ =	strace @p5 $0x90000049  }
0x36: {  	s24 =	sadd.s32 $0x1, s26;
	_ =	strace $0x8000004A  }
0x37: {  	_ =	swait.ge [sflag:s24], $0x80  }
0x38: {  	[sflag:s24] =	ssyncset.done $0x0  }
0x39: {  	s20 =	simm.s32 $0x1;
	[sflag:s24] =	ssyncadd.s32 $0xFFFFFF80  }
0x3a: {  	s20 =	simm.s32 @!p5 $0x0;
	_ =	strace $0x9000004A  }
0x3b: {  	s14 =	sadd.s32 s20, s14;
	s20 =	sand.u32 $0x1, s16;
	_ =	strace $0x8000004B  }
0x3c: {  	s29 =	sshll.u32 s19, $0x7;
	s25 =	sshll.u32 s20, $0xE;
	s26 =	rddreg [dreg:$0x4]  }
0x3d: {  	s29 =	sand.u32 $0x80, s29;
	s22 =	sor.u32 $0x100, s25;
	s30 =	rddreg [dreg:$0x3]  }
0x3e: {  	[tilespmem:s22], [sflag:$0x5] =	stream.indirect.gather [hbm4b:s30+s26], $0x80, s29, s26, $0x2000b8;
	[tilespmem:$0x8100] =	vst v63  }
0x3f: {  	_ =	swait.ge [sflag:s8], $0x4000  }
0x40: {  	s31 =	sadd.s32 $0x1, s17;
	[sflag:s8] =	ssyncset.done $0x0  }
0x41: {  	s23 =	sadd.s32 s4, s11;
	s11 =	smov.u32 s17;
	[sflag:s8] =	ssyncadd.s32 $0xFFFFC000  }
0x42: {  	p3 =	seq.s32 s31, $0x4F;
	s17 =	smov.u32 s31;
	_ =	strace $0x9000004B  }
0x43: {  	s17 =	simm.s32 @p3 $0x0;
	s31 =	sld [smem:$0x7FD]  }
0x44: {  	p6 =	sne.s32 s12, $0x1;
	p0 =	sne.s32 s21, $0x4F;
	p3 =	sne.s32 s11, s17  }
0x45: {  	p5 =	por !p6, !p3;
	p6 =	seq.s32 s21, $0x1;
	s21 =	simm.s32 $0x1  }
0x46: {  	s21 =	simm.s32 @!p0 $0x0;
	p0 =	seq.s32 s31, $0x1  }
.Ltmp0:
0x47: {  	s30 =	sld [smem:$0x7FC];
	(pc) =	sbr.rel @p0 .LBB2_2-.Ltmp0, $4  }
0x48: {  	_ = 	snop  }
0x49: {  	p4 =	seq.s32 s12, $0x4F  }
0x4a: {  	p1 =	por p2, p2;
	p2 =	por p4, p4;
	p4 =	seq.s32 s30, $0x1  }
0x4b: {  	p6 =	por p6, p4  }
0x4c: {  	_ =	strace @p6 $0x8000004C;
	s23 =	sshll.u32 @p6 s23, $0xB  }
0x4d: {  	s18 =	rddreg [dreg:$0x5];
	s23 =	sand.u32 @p6 $0x1FFFF800, s23  }
0x4e: {  	s20 =	sadd.s32 @p6 $0x3, s20;
	s18 =	sadd.s32 @p6 s18, s23;
	s23 =	simm.s32 @p6 $0x0  }
0x4f: {  	[hbm4b:s18+s23] =	stream.linear.scatter @p6 [tilespmem:s22], [sflag:s20], $0x4000, $0x200038;
	[tilespmem:$0x8100] =	vst v63  }
0x50: {  	p0 =	por !p5, !p5;
	_ =	strace @p6 $0x9000004C  }
0x51: {  	s15 =	sadd.s32 @!p1 $0x3, s15;
	s17 =	sadd.s32 @p0 s4, s17;
	_ =	strace @!p1 $0x8000004D  }
0x52: {  	s14 =	sand.u32 @p0 $0x1, s14;
	s17 =	sshll.u32 @p0 s17, $0x4;
	_ =	swait.ge @!p1 [sflag:s15], $0x4000  }
0x53: {  	s18 =	simm.s32 $0x1;
	s20 =	sshll.u32 @p0 s14, $0x7;
	[sflag:s15] =	ssyncset.done @!p1 $0x0  }
0x54: {  	s14 =	sadd.s32 @p0 $0x1, s14;
	s18 =	simm.s32 @!p6 $0x0;
	[sflag:s15] =	ssyncadd.s32 @!p1 $0xFFFFC000  }
0x55: {  	s19 =	sadd.s32 s18, s19;
	s15 =	sand.u32 @p0 $0x1FFFFFF0, s17;
	_ =	strace @!p1 $0x9000004D  }
0x56: {  	s17 =	simm.s32 @p0 $0x0;
	s15 =	sadd.s32 @p0 s1, s15;
	_ =	strace @p0 $0x80000049  }
0x57: {  	[tilespmem:s20], [sflag:s14] =	stream.linear.gather @p0 [hbm4b:s15+s17], $0x80, $0x200038;
	[tilespmem:$0x8100] =	vst v63  }
0x58: {  	s25 =	sand.u32 $0x1, s19;
	_ =	strace @p0 $0x90000049  }
0x59: {  	s14 =	sadd.s32 $0x1, s25;
	_ =	strace $0x8000004A  }
0x5a: {  	_ =	swait.ge [sflag:s14], $0x80  }
0x5b: {  	[sflag:s14] =	ssyncset.done $0x0  }
0x5c: {  	[sflag:s14] =	ssyncadd.s32 $0xFFFFFF80  }
0x5d: {  	s26 =	sadd.s32 s18, s16;
	_ =	strace $0x9000004A  }
0x5e: {  	s14 =	sand.u32 $0x1, s26;
	_ =	strace $0x8000004B  }
0x5f: {  	s30 =	sshll.u32 s19, $0x7;
	s31 =	sshll.u32 s14, $0xE;
	s28 =	rddreg [dreg:$0x4]  }
0x60: {  	s17 =	sand.u32 $0x80, s30;
	s18 =	sor.u32 $0x100, s31;
	s29 =	rddreg [dreg:$0x3]  }
0x61: {  	[tilespmem:s18], [sflag:$0x5] =	stream.indirect.gather [hbm4b:s29+s28], $0x80, s17, s28, $0x2000b8;
	[tilespmem:$0x8100] =	vst v63  }
0x62: {  	_ =	swait.ge [sflag:s8], $0x4000  }
0x63: {  	[sflag:s8] =	ssyncset.done $0x0  }
0x64: {  	p5 =	por p3, p3;
	p6 =	seq.s32 s12, $0x1;
	[sflag:s8] =	ssyncadd.s32 $0xFFFFC000  }
0x65: {  	s11 =	sadd.s32 s4, s11;
	p0 =	por p6, p5;
	_ =	strace $0x9000004B  }
0x66: {  	s11 =	sshll.u32 @p0 s11, $0xB;
	_ =	strace @p0 $0x8000004C  }
0x67: {  	s13 =	sadd.s32 s21, s13;
	s11 =	sand.u32 @p0 $0x1FFFF800, s11;
	s12 =	rddreg [dreg:$0x5]  }
0x68: {  	s14 =	sadd.s32 @p0 $0x3, s14;
	s11 =	sadd.s32 @p0 s12, s11;
	s12 =	simm.s32 @p0 $0x0  }
0x69: {  	[hbm4b:s11+s12] =	stream.linear.scatter @p0 [tilespmem:s18], [sflag:s14], $0x4000, $0x200038;
	[tilespmem:$0x8100] =	vst v63  }
0x6a: {  	p1 =	por p2, p2;
	s11 =	sand.u32 @!p2 $0x1, s13;
	_ =	strace @p0 $0x9000004C  }
0x6b: {  	s11 =	sadd.s32 @!p1 $0x3, s11;
	_ =	strace @!p1 $0x8000004D  }
0x6c: {  	_ =	swait.ge @!p1 [sflag:s11], $0x4000  }
0x6d: {  	[sflag:s11] =	ssyncset.done @!p1 $0x0  }
0x6e: {  	s10 =	sadd.s32 $0x1, s10;
	[sflag:s11] =	ssyncadd.s32 @!p1 $0xFFFFC000  }
0x6f: {  	p0 =	sne.s32 s10, s6;
	_ =	strace @!p1 $0x9000004D  }
.Ltmp1:
0x70: {  	_ =	strace $0x8000004E;
	(pc) =	sbr.rel @p0 .LBB2_1-.Ltmp1, $4  }
0x71: {  	_ =	swait.ge [sflag:s9], $0x4000  }
0x72: {  	[sflag:s9] =	ssyncset.done $0x0  }
0x73: {  	[sflag:s9] =	ssyncadd.s32 $0xFFFFC000  }
0x74: {  	_ =	strace $0x9000004E  }
0x75: {  	_ =	sfence.sel $0x180000  }
0x76: {  	[bflag:$0x0] =	sbarrier.arrive $0xFFFF  }
0x77: {  	p0 =	sne.s32 s3, $0x0;
	_ =	strace $0x90000047  }
0x78: {  	s0 =	sadd.s32 @!p0 $0x100000, s0;
	[bflag:$0x2] =	sbarrier.arrive $0xFFFF  }
0x79: {  	[sflag:s0] =	ssyncadd.tile.s32 @!p0 $0x1;
	_ =	shalt  }
.Lfunc_end2:
_tile_overlayer_lowered:
.L_overlay_start_2:
0x7a: {  	(tag) =	ssettag $0x2  }
0x7b: {  	s0 =	rddreg [dreg:$0x0];
	s2 =	stileid.u32  }
0x7c: {  	s1 =	rddreg [dreg:$0x1];
	p0 =	sne.s32 s2, $0x0  }
0x7d: {  	s3 =	rddreg [dreg:$0x2];
	[bflag:$0x3] =	sbarrier.arrive $0xFFFF;
	s2 =	simm.s32 @!p0 $0x1C01  }
0x7e: {  	[timem:s3], [sflag:s2] =	dma.local @!p0 [hbm:s0], s1  }
0x7f: {  	s0 =	simm.s32 @!p0 $0x1  }
0x80: {  	_ =	swait.ge @!p0 [sflag:s0], s1  }
0x81: {  	s1 =	ssub.s32 @!p0 $0x0, s1;
	[sflag:s0] =	ssyncset.done @!p0 $0x0  }
0x82: {  	[sflag:s0] =	ssyncadd.s32 @!p0 s1  }
0x83: {  	[bflag:$0x3] =	sbarrier.arrive $0xFFFF  }
0x84: {  	_ =	shalt  }

</sc_bundles>
